<compile_context>
chip_gen: v7x
topology: tpu7x:2x2x1
jax: 0.10.2.dev20260603
libtpu: 0.0.44.dev20260713+nightly
codegen_flags: <defaults>
</compile_context>

<pallas_src>
import functools

import jax
import jax.numpy as jnp
from jax import lax
from jax.experimental import pallas as pl
from jax.experimental.pallas import tpu as pltpu
from jax.experimental.pallas import tpu_sc as plsc

DIM = 128
NC = 2
NS = 16
NW = NC * NS

ROW_BLOCK = 4000
CHUNK = 128


def _transform_body(table_ref, w_ref, b_ref, out_ref):
    y = jnp.dot(table_ref[...], w_ref[...], preferred_element_type=jnp.float32)
    y = y + b_ref[...]
    out_ref[...] = jnp.where(y >= 0, y, 0.01 * y)


def _transform_table(table, W, b):
    n = table.shape[0]
    return pl.pallas_call(
        _transform_body,
        grid=(n // ROW_BLOCK,),
        in_specs=[
            pl.BlockSpec((ROW_BLOCK, DIM), lambda i: (i, 0)),
            pl.BlockSpec((DIM, DIM), lambda i: (0, 0)),
            pl.BlockSpec((1, DIM), lambda i: (0, 0)),
        ],
        out_specs=pl.BlockSpec((ROW_BLOCK, DIM), lambda i: (i, 0)),
        out_shape=jax.ShapeDtypeStruct((n, DIM), jnp.float32),
    )(table, W, b.reshape(1, DIM))


NBUF = 4


@functools.lru_cache(maxsize=None)
def _make_gather(n_idx):
    per_w = n_idx // NW
    n_chunks = per_w // CHUNK
    assert n_chunks % NBUF == 0
    mesh = plsc.VectorSubcoreMesh(core_axis_name="c", subcore_axis_name="s")

    @functools.partial(
        pl.kernel,
        out_type=jax.ShapeDtypeStruct((n_idx, DIM), jnp.float32),
        mesh=mesh,
        scratch_types=[
            pltpu.VMEM((n_chunks, CHUNK), jnp.int32),
            pltpu.VMEM((NBUF, CHUNK, DIM), jnp.float32),
        ]
        + [pltpu.SemaphoreType.DMA] * NBUF,
    )
    def gather(t_hbm, idx_hbm, out_hbm, idx_v, rows_v, *sems):
        wid = lax.axis_index("s") * NC + lax.axis_index("c")
        base = wid * per_w
        pltpu.sync_copy(idx_hbm.at[wid], idx_v)

        for b in range(NBUF):
            pltpu.async_copy(t_hbm.at[idx_v.at[b]], rows_v.at[b], sems[b])

        def step(i, carry):
            for b in range(NBUF):
                g = i * NBUF + b
                pltpu.make_async_copy(
                    t_hbm.at[idx_v.at[b]], rows_v.at[b], sems[b]
                ).wait()
                off = pl.multiple_of(base + g * CHUNK, CHUNK)
                pltpu.sync_copy(rows_v.at[b], out_hbm.at[pl.ds(off, CHUNK)])
                pltpu.async_copy(
                    t_hbm.at[idx_v.at[g + NBUF]], rows_v.at[b], sems[b]
                )
            return carry

        lax.fori_loop(0, n_chunks // NBUF - 1, step, 0)

        for b in range(NBUF):
            g = n_chunks - NBUF + b
            pltpu.make_async_copy(
                t_hbm.at[idx_v.at[b]], rows_v.at[b], sems[b]
            ).wait()
            off = pl.multiple_of(base + g * CHUNK, CHUNK)
            pltpu.sync_copy(rows_v.at[b], out_hbm.at[pl.ds(off, CHUNK)])

    return gather


def kernel(x, table, W, b):
    t = _transform_table(table, W, b)
    bsz, fields = x.shape
    n_idx = bsz * fields
    idx = x.reshape(NW, n_idx // (NW * CHUNK), CHUNK).astype(jnp.int32)
    out = _make_gather(n_idx)(t, idx)
    return out.reshape(bsz, fields, DIM)

# --- scband reference (transcript-rebuilt; emitter-appended) ---
"""Pipeline reference for scband-embeding-block-15771119911503 (READ-ONLY COPY).

The authoritative reference and input builder live on the scoring server;
editing this copy changes nothing except your own understanding.
"""

import jax, jax.numpy as jnp
import numpy as np

VOCAB = 100000
DIM = 128
BATCH = 16384
FIELDS = 26

def setup_inputs(seed: int = 0) -> dict:
    key = jax.random.key(seed)
    k1, k2, k3, k4 = jax.random.split(key, 4)
    x = jax.random.randint(k1, (BATCH, FIELDS), 0, VOCAB, dtype=jnp.int64)
    table = jax.random.normal(k2, (VOCAB, DIM), dtype=jnp.float32)
    # Linear(out_channels, out_channels) weight/bias, PyTorch-style init
    bound = 1.0 / np.sqrt(DIM)
    W = jax.random.uniform(k3, (DIM, DIM), minval=-bound, maxval=bound, dtype=jnp.float32)
    b = jax.random.uniform(k4, (DIM,), minval=-bound, maxval=bound, dtype=jnp.float32)
    return {"x": x, "table": table, "W": W, "b": b}

def reference(x, table, W, b):
    # embedding lookup (gather)
    e = jnp.take(table, x, axis=0)            # [B, F, DIM]
    # Linear followed by LeakyReLU ('lrelu'), torch default negative_slope=0.01
    y = jnp.einsum('bfd,de->bfe', e, W) + b   # [B, F, DIM]
    y = jnp.where(y >= 0, y, 0.01 * y)
    return y

if __name__ == "__main__":
    import jax
    _d = setup_inputs()
    print(jax.jit(kernel)(*tuple(_d.values())))

</pallas_src>

<mosaic_0001>
#map = affine_map<(d0, d1) -> (0, 0)>
#map1 = affine_map<(d0, d1) -> (0, 0, 0)>
module attributes {stable_mosaic.version = 14 : i64} {
  func.func @gather(%arg0: i32, %arg1: i32, %arg2: memref<100000x128xf32, #tpu.memory_space<hbm>>, %arg3: memref<32x104x128xi32, #tpu.memory_space<hbm>>, %arg4: memref<425984x128xf32, #tpu.memory_space<hbm>>, %arg5: memref<104x128xi32, #tpu.memory_space<vmem>>, %arg6: memref<4x128x128xf32, #tpu.memory_space<vmem>>, %arg7: memref<!tpu.dma_semaphore, #tpu.memory_space<semaphore_mem>>, %arg8: memref<!tpu.dma_semaphore, #tpu.memory_space<semaphore_mem>>, %arg9: memref<!tpu.dma_semaphore, #tpu.memory_space<semaphore_mem>>, %arg10: memref<!tpu.dma_semaphore, #tpu.memory_space<semaphore_mem>>) attributes {dimension_semantics = [#tpu.dimension_semantics<core_parallel>, #tpu.dimension_semantics<subcore_parallel>], iteration_bounds = array<i64: 2, 16>, scalar_prefetch = 0 : i64, scratch_operands = 6 : i64, tpu.core_type = #tpu.core_type<sc_vector_subcore>, window_params = [{transform_indices = #map}, {transform_indices = #map1}, {transform_indices = #map}]} {
    %mul3A = arith.constant 2 : i32
    %mul3A_0 = arith.muli %arg1, %mul3A : i32
    %add3A = arith.addi %mul3A_0, %arg0 : i32
    %mul3A_1 = arith.constant 13312 : i32
    %mul3A_2 = arith.muli %add3A, %mul3A_1 : i32
    "tpu.region"() ({
      %run_scoped3A_116 = tpu.sem_alloc : memref<!tpu.dma_semaphore, #tpu.memory_space<semaphore_mem>>
      %dma_start3A_117 = arith.constant 0 : i32
      %dma_start3A_118 = arith.constant 0 : i32
      %dma_start3A_119 = tpu.memref_slice %arg3[%add3A, %dma_start3A_117, %dma_start3A_118] : memref<32x104x128xi32, #tpu.memory_space<hbm>> -> memref<1x104x128xi32, #tpu.memory_space<hbm>>
      %dma_start3A_120 = tpu.memref_squeeze %dma_start3A_119 : memref<1x104x128xi32, #tpu.memory_space<hbm>> -> memref<104x128xi32, #tpu.memory_space<hbm>>
      %dma_start3A_121 = arith.constant 0 : i32
      %dma_start3A_122 = arith.constant 0 : i32
      %dma_start3A_123 = tpu.memref_slice %arg3[%add3A, %dma_start3A_121, %dma_start3A_122] : memref<32x104x128xi32, #tpu.memory_space<hbm>> -> memref<1x104x128xi32, #tpu.memory_space<hbm>>
      %dma_start3A_124 = tpu.memref_squeeze %dma_start3A_123 : memref<1x104x128xi32, #tpu.memory_space<hbm>> -> memref<104x128xi32, #tpu.memory_space<hbm>>
      tpu.enqueue_dma source(%dma_start3A_124 : memref<104x128xi32, #tpu.memory_space<hbm>>) target(%arg5 : memref<104x128xi32, #tpu.memory_space<vmem>>) target_semaphore(%run_scoped3A_116 : memref<!tpu.dma_semaphore, #tpu.memory_space<semaphore_mem>>)
      %dma_wait3A_125 = arith.constant 0 : i32
      %dma_wait3A_126 = arith.constant 0 : i32
      %dma_wait3A_127 = tpu.memref_slice %arg3[%add3A, %dma_wait3A_125, %dma_wait3A_126] : memref<32x104x128xi32, #tpu.memory_space<hbm>> -> memref<1x104x128xi32, #tpu.memory_space<hbm>>
      %dma_wait3A_128 = tpu.memref_squeeze %dma_wait3A_127 : memref<1x104x128xi32, #tpu.memory_space<hbm>> -> memref<104x128xi32, #tpu.memory_space<hbm>>
      %dma_wait3A_129 = arith.constant 0 : i32
      %dma_wait3A_130 = arith.constant 0 : i32
      %dma_wait3A_131 = tpu.memref_slice %arg3[%add3A, %dma_wait3A_129, %dma_wait3A_130] : memref<32x104x128xi32, #tpu.memory_space<hbm>> -> memref<1x104x128xi32, #tpu.memory_space<hbm>>
      %dma_wait3A_132 = tpu.memref_squeeze %dma_wait3A_131 : memref<1x104x128xi32, #tpu.memory_space<hbm>> -> memref<104x128xi32, #tpu.memory_space<hbm>>
      tpu.wait_dma2 semaphore(%run_scoped3A_116 : memref<!tpu.dma_semaphore, #tpu.memory_space<semaphore_mem>>) src(%dma_wait3A_132 : memref<104x128xi32, #tpu.memory_space<hbm>>) dst(%arg5 : memref<104x128xi32, #tpu.memory_space<vmem>>)
      tpu.yield
    }) : () -> ()
    %dma_start3A = arith.constant 0 : i32
    %dma_start3A_3 = arith.constant 0 : i32
    %dma_start3A_4 = arith.constant 0 : i32
    %dma_start3A_5 = arith.constant 0 : i32
    %dma_start3A_6 = tpu.memref_slice %arg6[%dma_start3A_3, %dma_start3A_4, %dma_start3A_5] : memref<4x128x128xf32, #tpu.memory_space<vmem>> -> memref<1x128x128xf32, #tpu.memory_space<vmem>>
    %dma_start3A_7 = tpu.memref_squeeze %dma_start3A_6 : memref<1x128x128xf32, #tpu.memory_space<vmem>> -> memref<128x128xf32, #tpu.memory_space<vmem>>
    %dma_start3A_8 = arith.constant 0 : i32
    %dma_start3A_9 = tpu.memref_slice %arg5[%dma_start3A, %dma_start3A_8] : memref<104x128xi32, #tpu.memory_space<vmem>> -> memref<1x128xi32, #tpu.memory_space<vmem>>
    %dma_start3A_10 = tpu.memref_squeeze %dma_start3A_9 : memref<1x128xi32, #tpu.memory_space<vmem>> -> memref<128xi32, #tpu.memory_space<vmem>>
    %dma_start3A_11 = arith.constant 0 : i32
    %dma_start3A_12 = arith.constant 0 : i32
    %dma_start3A_13 = tpu.memref_slice %arg2[%dma_start3A_11, %dma_start3A_12] : memref<100000x128xf32, #tpu.memory_space<hbm>> -> memref<100000x128xf32, #tpu.memory_space<hbm>>
    tpu.enqueue_indirect_dma source(%dma_start3A_13 : memref<100000x128xf32, #tpu.memory_space<hbm>>) target(%dma_start3A_7 : memref<128x128xf32, #tpu.memory_space<vmem>>) offsets(%dma_start3A_10 : memref<128xi32, #tpu.memory_space<vmem>>) semaphore(%arg7 : memref<!tpu.dma_semaphore, #tpu.memory_space<semaphore_mem>>)
    %dma_start3A_14 = arith.constant 1 : i32
    %dma_start3A_15 = arith.constant 1 : i32
    %dma_start3A_16 = arith.constant 0 : i32
    %dma_start3A_17 = arith.constant 0 : i32
    %dma_start3A_18 = tpu.memref_slice %arg6[%dma_start3A_15, %dma_start3A_16, %dma_start3A_17] : memref<4x128x128xf32, #tpu.memory_space<vmem>> -> memref<1x128x128xf32, #tpu.memory_space<vmem>>
    %dma_start3A_19 = tpu.memref_squeeze %dma_start3A_18 : memref<1x128x128xf32, #tpu.memory_space<vmem>> -> memref<128x128xf32, #tpu.memory_space<vmem>>
    %dma_start3A_20 = arith.constant 0 : i32
    %dma_start3A_21 = tpu.memref_slice %arg5[%dma_start3A_14, %dma_start3A_20] : memref<104x128xi32, #tpu.memory_space<vmem>> -> memref<1x128xi32, #tpu.memory_space<vmem>>
    %dma_start3A_22 = tpu.memref_squeeze %dma_start3A_21 : memref<1x128xi32, #tpu.memory_space<vmem>> -> memref<128xi32, #tpu.memory_space<vmem>>
    %dma_start3A_23 = arith.constant 0 : i32
    %dma_start3A_24 = arith.constant 0 : i32
    %dma_start3A_25 = tpu.memref_slice %arg2[%dma_start3A_23, %dma_start3A_24] : memref<100000x128xf32, #tpu.memory_space<hbm>> -> memref<100000x128xf32, #tpu.memory_space<hbm>>
    tpu.enqueue_indirect_dma source(%dma_start3A_25 : memref<100000x128xf32, #tpu.memory_space<hbm>>) target(%dma_start3A_19 : memref<128x128xf32, #tpu.memory_space<vmem>>) offsets(%dma_start3A_22 : memref<128xi32, #tpu.memory_space<vmem>>) semaphore(%arg8 : memref<!tpu.dma_semaphore, #tpu.memory_space<semaphore_mem>>)
    %dma_start3A_26 = arith.constant 2 : i32
    %dma_start3A_27 = arith.constant 2 : i32
    %dma_start3A_28 = arith.constant 0 : i32
    %dma_start3A_29 = arith.constant 0 : i32
    %dma_start3A_30 = tpu.memref_slice %arg6[%dma_start3A_27, %dma_start3A_28, %dma_start3A_29] : memref<4x128x128xf32, #tpu.memory_space<vmem>> -> memref<1x128x128xf32, #tpu.memory_space<vmem>>
    %dma_start3A_31 = tpu.memref_squeeze %dma_start3A_30 : memref<1x128x128xf32, #tpu.memory_space<vmem>> -> memref<128x128xf32, #tpu.memory_space<vmem>>
    %dma_start3A_32 = arith.constant 0 : i32
    %dma_start3A_33 = tpu.memref_slice %arg5[%dma_start3A_26, %dma_start3A_32] : memref<104x128xi32, #tpu.memory_space<vmem>> -> memref<1x128xi32, #tpu.memory_space<vmem>>
    %dma_start3A_34 = tpu.memref_squeeze %dma_start3A_33 : memref<1x128xi32, #tpu.memory_space<vmem>> -> memref<128xi32, #tpu.memory_space<vmem>>
    %dma_start3A_35 = arith.constant 0 : i32
    %dma_start3A_36 = arith.constant 0 : i32
    %dma_start3A_37 = tpu.memref_slice %arg2[%dma_start3A_35, %dma_start3A_36] : memref<100000x128xf32, #tpu.memory_space<hbm>> -> memref<100000x128xf32, #tpu.memory_space<hbm>>
    tpu.enqueue_indirect_dma source(%dma_start3A_37 : memref<100000x128xf32, #tpu.memory_space<hbm>>) target(%dma_start3A_31 : memref<128x128xf32, #tpu.memory_space<vmem>>) offsets(%dma_start3A_34 : memref<128xi32, #tpu.memory_space<vmem>>) semaphore(%arg9 : memref<!tpu.dma_semaphore, #tpu.memory_space<semaphore_mem>>)
    %dma_start3A_38 = arith.constant 3 : i32
    %dma_start3A_39 = arith.constant 3 : i32
    %dma_start3A_40 = arith.constant 0 : i32
    %dma_start3A_41 = arith.constant 0 : i32
    %dma_start3A_42 = tpu.memref_slice %arg6[%dma_start3A_39, %dma_start3A_40, %dma_start3A_41] : memref<4x128x128xf32, #tpu.memory_space<vmem>> -> memref<1x128x128xf32, #tpu.memory_space<vmem>>
    %dma_start3A_43 = tpu.memref_squeeze %dma_start3A_42 : memref<1x128x128xf32, #tpu.memory_space<vmem>> -> memref<128x128xf32, #tpu.memory_space<vmem>>
    %dma_start3A_44 = arith.constant 0 : i32
    %dma_start3A_45 = tpu.memref_slice %arg5[%dma_start3A_38, %dma_start3A_44] : memref<104x128xi32, #tpu.memory_space<vmem>> -> memref<1x128xi32, #tpu.memory_space<vmem>>
    %dma_start3A_46 = tpu.memref_squeeze %dma_start3A_45 : memref<1x128xi32, #tpu.memory_space<vmem>> -> memref<128xi32, #tpu.memory_space<vmem>>
    %dma_start3A_47 = arith.constant 0 : i32
    %dma_start3A_48 = arith.constant 0 : i32
    %dma_start3A_49 = tpu.memref_slice %arg2[%dma_start3A_47, %dma_start3A_48] : memref<100000x128xf32, #tpu.memory_space<hbm>> -> memref<100000x128xf32, #tpu.memory_space<hbm>>
    tpu.enqueue_indirect_dma source(%dma_start3A_49 : memref<100000x128xf32, #tpu.memory_space<hbm>>) target(%dma_start3A_43 : memref<128x128xf32, #tpu.memory_space<vmem>>) offsets(%dma_start3A_46 : memref<128xi32, #tpu.memory_space<vmem>>) semaphore(%arg10 : memref<!tpu.dma_semaphore, #tpu.memory_space<semaphore_mem>>)
    %scan3A = arith.constant 0 : i32
    %scan3A_50 = arith.constant 0 : i32
    %scan3A_51 = arith.constant 25 : i32
    %scan3A_52 = arith.addi %scan3A_50, %scan3A_51 : i32
    %scan3A_53 = arith.constant 1 : i32
    scf.for %scan3A_116 = %scan3A_50 to %scan3A_52 step %scan3A_53  : i32 {
      %mul3A_117 = arith.constant 4 : i32
      %mul3A_118 = arith.muli %scan3A_116, %mul3A_117 : i32
      %add3A_119 = arith.constant 0 : i32
      %add3A_120 = arith.addi %mul3A_118, %add3A_119 : i32
      %dma_wait3A_121 = arith.constant 0 : i32
      %dma_wait3A_122 = arith.constant 0 : i32
      %dma_wait3A_123 = arith.constant 0 : i32
      %dma_wait3A_124 = arith.constant 0 : i32
      %dma_wait3A_125 = tpu.memref_slice %arg6[%dma_wait3A_122, %dma_wait3A_123, %dma_wait3A_124] : memref<4x128x128xf32, #tpu.memory_space<vmem>> -> memref<1x128x128xf32, #tpu.memory_space<vmem>>
      %dma_wait3A_126 = tpu.memref_squeeze %dma_wait3A_125 : memref<1x128x128xf32, #tpu.memory_space<vmem>> -> memref<128x128xf32, #tpu.memory_space<vmem>>
      %dma_wait3A_127 = arith.constant 0 : i32
      %dma_wait3A_128 = tpu.memref_slice %arg5[%dma_wait3A_121, %dma_wait3A_127] : memref<104x128xi32, #tpu.memory_space<vmem>> -> memref<1x128xi32, #tpu.memory_space<vmem>>
      %dma_wait3A_129 = tpu.memref_squeeze %dma_wait3A_128 : memref<1x128xi32, #tpu.memory_space<vmem>> -> memref<128xi32, #tpu.memory_space<vmem>>
      %dma_wait3A_130 = arith.constant 0 : i32
      %dma_wait3A_131 = arith.constant 0 : i32
      %dma_wait3A_132 = tpu.memref_slice %arg2[%dma_wait3A_130, %dma_wait3A_131] : memref<100000x128xf32, #tpu.memory_space<hbm>> -> memref<100000x128xf32, #tpu.memory_space<hbm>>
      tpu.wait_indirect_dma semaphore(%arg7 : memref<!tpu.dma_semaphore, #tpu.memory_space<semaphore_mem>>) src(%dma_wait3A_132 : memref<100000x128xf32, #tpu.memory_space<hbm>>) dst(%dma_wait3A_126 : memref<128x128xf32, #tpu.memory_space<vmem>>)
      %mul3A_133 = arith.constant 128 : i32
      %mul3A_134 = arith.muli %add3A_120, %mul3A_133 : i32
      %add3A_135 = arith.addi %mul3A_2, %mul3A_134 : i32
      %multiple_of3A_136 = tpu.assume_multiple %add3A_135, 128 : i32
      %run_scoped3A_137 = arith.constant 0 : i32
      "tpu.region"() ({
        %run_scoped3A_253 = tpu.sem_alloc : memref<!tpu.dma_semaphore, #tpu.memory_space<semaphore_mem>>
        %dma_start3A_254 = arith.constant 0 : i32
        %dma_start3A_255 = arith.constant 0 : i32
        %dma_start3A_256 = tpu.memref_slice %arg6[%run_scoped3A_137, %dma_start3A_254, %dma_start3A_255] : memref<4x128x128xf32, #tpu.memory_space<vmem>> -> memref<1x128x128xf32, #tpu.memory_space<vmem>>
        %dma_start3A_257 = tpu.memref_squeeze %dma_start3A_256 : memref<1x128x128xf32, #tpu.memory_space<vmem>> -> memref<128x128xf32, #tpu.memory_space<vmem>>
        %dma_start3A_258 = arith.constant 0 : i32
        %dma_start3A_259 = tpu.memref_slice %arg4[%multiple_of3A_136, %dma_start3A_258] : memref<425984x128xf32, #tpu.memory_space<hbm>> -> memref<128x128xf32, #tpu.memory_space<hbm>>
        %dma_start3A_260 = arith.constant 0 : i32
        %dma_start3A_261 = tpu.memref_slice %arg4[%multiple_of3A_136, %dma_start3A_260] : memref<425984x128xf32, #tpu.memory_space<hbm>> -> memref<128x128xf32, #tpu.memory_space<hbm>>
        %dma_start3A_262 = arith.constant 0 : i32
        %dma_start3A_263 = arith.constant 0 : i32
        %dma_start3A_264 = tpu.memref_slice %arg6[%run_scoped3A_137, %dma_start3A_262, %dma_start3A_263] : memref<4x128x128xf32, #tpu.memory_space<vmem>> -> memref<1x128x128xf32, #tpu.memory_space<vmem>>
        %dma_start3A_265 = tpu.memref_squeeze %dma_start3A_264 : memref<1x128x128xf32, #tpu.memory_space<vmem>> -> memref<128x128xf32, #tpu.memory_space<vmem>>
        tpu.enqueue_dma source(%dma_start3A_265 : memref<128x128xf32, #tpu.memory_space<vmem>>) target(%dma_start3A_261 : memref<128x128xf32, #tpu.memory_space<hbm>>) target_semaphore(%run_scoped3A_253 : memref<!tpu.dma_semaphore, #tpu.memory_space<semaphore_mem>>)
        %dma_wait3A_266 = arith.constant 0 : i32
        %dma_wait3A_267 = arith.constant 0 : i32
        %dma_wait3A_268 = tpu.memref_slice %arg6[%run_scoped3A_137, %dma_wait3A_266, %dma_wait3A_267] : memref<4x128x128xf32, #tpu.memory_space<vmem>> -> memref<1x128x128xf32, #tpu.memory_space<vmem>>
        %dma_wait3A_269 = tpu.memref_squeeze %dma_wait3A_268 : memref<1x128x128xf32, #tpu.memory_space<vmem>> -> memref<128x128xf32, #tpu.memory_space<vmem>>
        %dma_wait3A_270 = arith.constant 0 : i32
        %dma_wait3A_271 = tpu.memref_slice %arg4[%multiple_of3A_136, %dma_wait3A_270] : memref<425984x128xf32, #tpu.memory_space<hbm>> -> memref<128x128xf32, #tpu.memory_space<hbm>>
        %dma_wait3A_272 = arith.constant 0 : i32
        %dma_wait3A_273 = tpu.memref_slice %arg4[%multiple_of3A_136, %dma_wait3A_272] : memref<425984x128xf32, #tpu.memory_space<hbm>> -> memref<128x128xf32, #tpu.memory_space<hbm>>
        %dma_wait3A_274 = arith.constant 0 : i32
        %dma_wait3A_275 = arith.constant 0 : i32
        %dma_wait3A_276 = tpu.memref_slice %arg6[%run_scoped3A_137, %dma_wait3A_274, %dma_wait3A_275] : memref<4x128x128xf32, #tpu.memory_space<vmem>> -> memref<1x128x128xf32, #tpu.memory_space<vmem>>
        %dma_wait3A_277 = tpu.memref_squeeze %dma_wait3A_276 : memref<1x128x128xf32, #tpu.memory_space<vmem>> -> memref<128x128xf32, #tpu.memory_space<vmem>>
        tpu.wait_dma2 semaphore(%run_scoped3A_253 : memref<!tpu.dma_semaphore, #tpu.memory_space<semaphore_mem>>) src(%dma_wait3A_277 : memref<128x128xf32, #tpu.memory_space<vmem>>) dst(%dma_wait3A_273 : memref<128x128xf32, #tpu.memory_space<hbm>>)
        tpu.yield
      }) : () -> ()
      %add3A_138 = arith.constant 4 : i32
      %add3A_139 = arith.addi %add3A_120, %add3A_138 : i32
      %dma_start3A_140 = arith.constant 0 : i32
      %dma_start3A_141 = arith.constant 0 : i32
      %dma_start3A_142 = arith.constant 0 : i32
      %dma_start3A_143 = tpu.memref_slice %arg6[%dma_start3A_140, %dma_start3A_141, %dma_start3A_142] : memref<4x128x128xf32, #tpu.memory_space<vmem>> -> memref<1x128x128xf32, #tpu.memory_space<vmem>>
      %dma_start3A_144 = tpu.memref_squeeze %dma_start3A_143 : memref<1x128x128xf32, #tpu.memory_space<vmem>> -> memref<128x128xf32, #tpu.memory_space<vmem>>
      %dma_start3A_145 = arith.constant 0 : i32
      %dma_start3A_146 = tpu.memref_slice %arg5[%add3A_139, %dma_start3A_145] : memref<104x128xi32, #tpu.memory_space<vmem>> -> memref<1x128xi32, #tpu.memory_space<vmem>>
      %dma_start3A_147 = tpu.memref_squeeze %dma_start3A_146 : memref<1x128xi32, #tpu.memory_space<vmem>> -> memref<128xi32, #tpu.memory_space<vmem>>
      %dma_start3A_148 = arith.constant 0 : i32
      %dma_start3A_149 = arith.constant 0 : i32
      %dma_start3A_150 = tpu.memref_slice %arg2[%dma_start3A_148, %dma_start3A_149] : memref<100000x128xf32, #tpu.memory_space<hbm>> -> memref<100000x128xf32, #tpu.memory_space<hbm>>
      tpu.enqueue_indirect_dma source(%dma_start3A_150 : memref<100000x128xf32, #tpu.memory_space<hbm>>) target(%dma_start3A_144 : memref<128x128xf32, #tpu.memory_space<vmem>>) offsets(%dma_start3A_147 : memref<128xi32, #tpu.memory_space<vmem>>) semaphore(%arg7 : memref<!tpu.dma_semaphore, #tpu.memory_space<semaphore_mem>>)
      %mul3A_151 = arith.constant 4 : i32
      %mul3A_152 = arith.muli %scan3A_116, %mul3A_151 : i32
      %add3A_153 = arith.constant 1 : i32
      %add3A_154 = arith.addi %mul3A_152, %add3A_153 : i32
      %dma_wait3A_155 = arith.constant 1 : i32
      %dma_wait3A_156 = arith.constant 1 : i32
      %dma_wait3A_157 = arith.constant 0 : i32
      %dma_wait3A_158 = arith.constant 0 : i32
      %dma_wait3A_159 = tpu.memref_slice %arg6[%dma_wait3A_156, %dma_wait3A_157, %dma_wait3A_158] : memref<4x128x128xf32, #tpu.memory_space<vmem>> -> memref<1x128x128xf32, #tpu.memory_space<vmem>>
      %dma_wait3A_160 = tpu.memref_squeeze %dma_wait3A_159 : memref<1x128x128xf32, #tpu.memory_space<vmem>> -> memref<128x128xf32, #tpu.memory_space<vmem>>
      %dma_wait3A_161 = arith.constant 0 : i32
      %dma_wait3A_162 = tpu.memref_slice %arg5[%dma_wait3A_155, %dma_wait3A_161] : memref<104x128xi32, #tpu.memory_space<vmem>> -> memref<1x128xi32, #tpu.memory_space<vmem>>
      %dma_wait3A_163 = tpu.memref_squeeze %dma_wait3A_162 : memref<1x128xi32, #tpu.memory_space<vmem>> -> memref<128xi32, #tpu.memory_space<vmem>>
      %dma_wait3A_164 = arith.constant 0 : i32
      %dma_wait3A_165 = arith.constant 0 : i32
      %dma_wait3A_166 = tpu.memref_slice %arg2[%dma_wait3A_164, %dma_wait3A_165] : memref<100000x128xf32, #tpu.memory_space<hbm>> -> memref<100000x128xf32, #tpu.memory_space<hbm>>
      tpu.wait_indirect_dma semaphore(%arg8 : memref<!tpu.dma_semaphore, #tpu.memory_space<semaphore_mem>>) src(%dma_wait3A_166 : memref<100000x128xf32, #tpu.memory_space<hbm>>) dst(%dma_wait3A_160 : memref<128x128xf32, #tpu.memory_space<vmem>>)
      %mul3A_167 = arith.constant 128 : i32
      %mul3A_168 = arith.muli %add3A_154, %mul3A_167 : i32
      %add3A_169 = arith.addi %mul3A_2, %mul3A_168 : i32
      %multiple_of3A_170 = tpu.assume_multiple %add3A_169, 128 : i32
      %run_scoped3A_171 = arith.constant 1 : i32
      "tpu.region"() ({
        %run_scoped3A_253 = tpu.sem_alloc : memref<!tpu.dma_semaphore, #tpu.memory_space<semaphore_mem>>
        %dma_start3A_254 = arith.constant 0 : i32
        %dma_start3A_255 = arith.constant 0 : i32
        %dma_start3A_256 = tpu.memref_slice %arg6[%run_scoped3A_171, %dma_start3A_254, %dma_start3A_255] : memref<4x128x128xf32, #tpu.memory_space<vmem>> -> memref<1x128x128xf32, #tpu.memory_space<vmem>>
        %dma_start3A_257 = tpu.memref_squeeze %dma_start3A_256 : memref<1x128x128xf32, #tpu.memory_space<vmem>> -> memref<128x128xf32, #tpu.memory_space<vmem>>
        %dma_start3A_258 = arith.constant 0 : i32
        %dma_start3A_259 = tpu.memref_slice %arg4[%multiple_of3A_170, %dma_start3A_258] : memref<425984x128xf32, #tpu.memory_space<hbm>> -> memref<128x128xf32, #tpu.memory_space<hbm>>
        %dma_start3A_260 = arith.constant 0 : i32
        %dma_start3A_261 = tpu.memref_slice %arg4[%multiple_of3A_170, %dma_start3A_260] : memref<425984x128xf32, #tpu.memory_space<hbm>> -> memref<128x128xf32, #tpu.memory_space<hbm>>
        %dma_start3A_262 = arith.constant 0 : i32
        %dma_start3A_263 = arith.constant 0 : i32
        %dma_start3A_264 = tpu.memref_slice %arg6[%run_scoped3A_171, %dma_start3A_262, %dma_start3A_263] : memref<4x128x128xf32, #tpu.memory_space<vmem>> -> memref<1x128x128xf32, #tpu.memory_space<vmem>>
        %dma_start3A_265 = tpu.memref_squeeze %dma_start3A_264 : memref<1x128x128xf32, #tpu.memory_space<vmem>> -> memref<128x128xf32, #tpu.memory_space<vmem>>
        tpu.enqueue_dma source(%dma_start3A_265 : memref<128x128xf32, #tpu.memory_space<vmem>>) target(%dma_start3A_261 : memref<128x128xf32, #tpu.memory_space<hbm>>) target_semaphore(%run_scoped3A_253 : memref<!tpu.dma_semaphore, #tpu.memory_space<semaphore_mem>>)
        %dma_wait3A_266 = arith.constant 0 : i32
        %dma_wait3A_267 = arith.constant 0 : i32
        %dma_wait3A_268 = tpu.memref_slice %arg6[%run_scoped3A_171, %dma_wait3A_266, %dma_wait3A_267] : memref<4x128x128xf32, #tpu.memory_space<vmem>> -> memref<1x128x128xf32, #tpu.memory_space<vmem>>
        %dma_wait3A_269 = tpu.memref_squeeze %dma_wait3A_268 : memref<1x128x128xf32, #tpu.memory_space<vmem>> -> memref<128x128xf32, #tpu.memory_space<vmem>>
        %dma_wait3A_270 = arith.constant 0 : i32
        %dma_wait3A_271 = tpu.memref_slice %arg4[%multiple_of3A_170, %dma_wait3A_270] : memref<425984x128xf32, #tpu.memory_space<hbm>> -> memref<128x128xf32, #tpu.memory_space<hbm>>
        %dma_wait3A_272 = arith.constant 0 : i32
        %dma_wait3A_273 = tpu.memref_slice %arg4[%multiple_of3A_170, %dma_wait3A_272] : memref<425984x128xf32, #tpu.memory_space<hbm>> -> memref<128x128xf32, #tpu.memory_space<hbm>>
        %dma_wait3A_274 = arith.constant 0 : i32
        %dma_wait3A_275 = arith.constant 0 : i32
        %dma_wait3A_276 = tpu.memref_slice %arg6[%run_scoped3A_171, %dma_wait3A_274, %dma_wait3A_275] : memref<4x128x128xf32, #tpu.memory_space<vmem>> -> memref<1x128x128xf32, #tpu.memory_space<vmem>>
        %dma_wait3A_277 = tpu.memref_squeeze %dma_wait3A_276 : memref<1x128x128xf32, #tpu.memory_space<vmem>> -> memref<128x128xf32, #tpu.memory_space<vmem>>
        tpu.wait_dma2 semaphore(%run_scoped3A_253 : memref<!tpu.dma_semaphore, #tpu.memory_space<semaphore_mem>>) src(%dma_wait3A_277 : memref<128x128xf32, #tpu.memory_space<vmem>>) dst(%dma_wait3A_273 : memref<128x128xf32, #tpu.memory_space<hbm>>)
        tpu.yield
      }) : () -> ()
      %add3A_172 = arith.constant 4 : i32
      %add3A_173 = arith.addi %add3A_154, %add3A_172 : i32
      %dma_start3A_174 = arith.constant 1 : i32
      %dma_start3A_175 = arith.constant 0 : i32
      %dma_start3A_176 = arith.constant 0 : i32
      %dma_start3A_177 = tpu.memref_slice %arg6[%dma_start3A_174, %dma_start3A_175, %dma_start3A_176] : memref<4x128x128xf32, #tpu.memory_space<vmem>> -> memref<1x128x128xf32, #tpu.memory_space<vmem>>
      %dma_start3A_178 = tpu.memref_squeeze %dma_start3A_177 : memref<1x128x128xf32, #tpu.memory_space<vmem>> -> memref<128x128xf32, #tpu.memory_space<vmem>>
      %dma_start3A_179 = arith.constant 0 : i32
      %dma_start3A_180 = tpu.memref_slice %arg5[%add3A_173, %dma_start3A_179] : memref<104x128xi32, #tpu.memory_space<vmem>> -> memref<1x128xi32, #tpu.memory_space<vmem>>
      %dma_start3A_181 = tpu.memref_squeeze %dma_start3A_180 : memref<1x128xi32, #tpu.memory_space<vmem>> -> memref<128xi32, #tpu.memory_space<vmem>>
      %dma_start3A_182 = arith.constant 0 : i32
      %dma_start3A_183 = arith.constant 0 : i32
      %dma_start3A_184 = tpu.memref_slice %arg2[%dma_start3A_182, %dma_start3A_183] : memref<100000x128xf32, #tpu.memory_space<hbm>> -> memref<100000x128xf32, #tpu.memory_space<hbm>>
      tpu.enqueue_indirect_dma source(%dma_start3A_184 : memref<100000x128xf32, #tpu.memory_space<hbm>>) target(%dma_start3A_178 : memref<128x128xf32, #tpu.memory_space<vmem>>) offsets(%dma_start3A_181 : memref<128xi32, #tpu.memory_space<vmem>>) semaphore(%arg8 : memref<!tpu.dma_semaphore, #tpu.memory_space<semaphore_mem>>)
      %mul3A_185 = arith.constant 4 : i32
      %mul3A_186 = arith.muli %scan3A_116, %mul3A_185 : i32
      %add3A_187 = arith.constant 2 : i32
      %add3A_188 = arith.addi %mul3A_186, %add3A_187 : i32
      %dma_wait3A_189 = arith.constant 2 : i32
      %dma_wait3A_190 = arith.constant 2 : i32
      %dma_wait3A_191 = arith.constant 0 : i32
      %dma_wait3A_192 = arith.constant 0 : i32
      %dma_wait3A_193 = tpu.memref_slice %arg6[%dma_wait3A_190, %dma_wait3A_191, %dma_wait3A_192] : memref<4x128x128xf32, #tpu.memory_space<vmem>> -> memref<1x128x128xf32, #tpu.memory_space<vmem>>
      %dma_wait3A_194 = tpu.memref_squeeze %dma_wait3A_193 : memref<1x128x128xf32, #tpu.memory_space<vmem>> -> memref<128x128xf32, #tpu.memory_space<vmem>>
      %dma_wait3A_195 = arith.constant 0 : i32
      %dma_wait3A_196 = tpu.memref_slice %arg5[%dma_wait3A_189, %dma_wait3A_195] : memref<104x128xi32, #tpu.memory_space<vmem>> -> memref<1x128xi32, #tpu.memory_space<vmem>>
      %dma_wait3A_197 = tpu.memref_squeeze %dma_wait3A_196 : memref<1x128xi32, #tpu.memory_space<vmem>> -> memref<128xi32, #tpu.memory_space<vmem>>
      %dma_wait3A_198 = arith.constant 0 : i32
      %dma_wait3A_199 = arith.constant 0 : i32
      %dma_wait3A_200 = tpu.memref_slice %arg2[%dma_wait3A_198, %dma_wait3A_199] : memref<100000x128xf32, #tpu.memory_space<hbm>> -> memref<100000x128xf32, #tpu.memory_space<hbm>>
      tpu.wait_indirect_dma semaphore(%arg9 : memref<!tpu.dma_semaphore, #tpu.memory_space<semaphore_mem>>) src(%dma_wait3A_200 : memref<100000x128xf32, #tpu.memory_space<hbm>>) dst(%dma_wait3A_194 : memref<128x128xf32, #tpu.memory_space<vmem>>)
      %mul3A_201 = arith.constant 128 : i32
      %mul3A_202 = arith.muli %add3A_188, %mul3A_201 : i32
      %add3A_203 = arith.addi %mul3A_2, %mul3A_202 : i32
      %multiple_of3A_204 = tpu.assume_multiple %add3A_203, 128 : i32
      %run_scoped3A_205 = arith.constant 2 : i32
      "tpu.region"() ({
        %run_scoped3A_253 = tpu.sem_alloc : memref<!tpu.dma_semaphore, #tpu.memory_space<semaphore_mem>>
        %dma_start3A_254 = arith.constant 0 : i32
        %dma_start3A_255 = arith.constant 0 : i32
        %dma_start3A_256 = tpu.memref_slice %arg6[%run_scoped3A_205, %dma_start3A_254, %dma_start3A_255] : memref<4x128x128xf32, #tpu.memory_space<vmem>> -> memref<1x128x128xf32, #tpu.memory_space<vmem>>
        %dma_start3A_257 = tpu.memref_squeeze %dma_start3A_256 : memref<1x128x128xf32, #tpu.memory_space<vmem>> -> memref<128x128xf32, #tpu.memory_space<vmem>>
        %dma_start3A_258 = arith.constant 0 : i32
        %dma_start3A_259 = tpu.memref_slice %arg4[%multiple_of3A_204, %dma_start3A_258] : memref<425984x128xf32, #tpu.memory_space<hbm>> -> memref<128x128xf32, #tpu.memory_space<hbm>>
        %dma_start3A_260 = arith.constant 0 : i32
        %dma_start3A_261 = tpu.memref_slice %arg4[%multiple_of3A_204, %dma_start3A_260] : memref<425984x128xf32, #tpu.memory_space<hbm>> -> memref<128x128xf32, #tpu.memory_space<hbm>>
        %dma_start3A_262 = arith.constant 0 : i32
        %dma_start3A_263 = arith.constant 0 : i32
        %dma_start3A_264 = tpu.memref_slice %arg6[%run_scoped3A_205, %dma_start3A_262, %dma_start3A_263] : memref<4x128x128xf32, #tpu.memory_space<vmem>> -> memref<1x128x128xf32, #tpu.memory_space<vmem>>
        %dma_start3A_265 = tpu.memref_squeeze %dma_start3A_264 : memref<1x128x128xf32, #tpu.memory_space<vmem>> -> memref<128x128xf32, #tpu.memory_space<vmem>>
        tpu.enqueue_dma source(%dma_start3A_265 : memref<128x128xf32, #tpu.memory_space<vmem>>) target(%dma_start3A_261 : memref<128x128xf32, #tpu.memory_space<hbm>>) target_semaphore(%run_scoped3A_253 : memref<!tpu.dma_semaphore, #tpu.memory_space<semaphore_mem>>)
        %dma_wait3A_266 = arith.constant 0 : i32
        %dma_wait3A_267 = arith.constant 0 : i32
        %dma_wait3A_268 = tpu.memref_slice %arg6[%run_scoped3A_205, %dma_wait3A_266, %dma_wait3A_267] : memref<4x128x128xf32, #tpu.memory_space<vmem>> -> memref<1x128x128xf32, #tpu.memory_space<vmem>>
        %dma_wait3A_269 = tpu.memref_squeeze %dma_wait3A_268 : memref<1x128x128xf32, #tpu.memory_space<vmem>> -> memref<128x128xf32, #tpu.memory_space<vmem>>
        %dma_wait3A_270 = arith.constant 0 : i32
        %dma_wait3A_271 = tpu.memref_slice %arg4[%multiple_of3A_204, %dma_wait3A_270] : memref<425984x128xf32, #tpu.memory_space<hbm>> -> memref<128x128xf32, #tpu.memory_space<hbm>>
        %dma_wait3A_272 = arith.constant 0 : i32
        %dma_wait3A_273 = tpu.memref_slice %arg4[%multiple_of3A_204, %dma_wait3A_272] : memref<425984x128xf32, #tpu.memory_space<hbm>> -> memref<128x128xf32, #tpu.memory_space<hbm>>
        %dma_wait3A_274 = arith.constant 0 : i32
        %dma_wait3A_275 = arith.constant 0 : i32
        %dma_wait3A_276 = tpu.memref_slice %arg6[%run_scoped3A_205, %dma_wait3A_274, %dma_wait3A_275] : memref<4x128x128xf32, #tpu.memory_space<vmem>> -> memref<1x128x128xf32, #tpu.memory_space<vmem>>
        %dma_wait3A_277 = tpu.memref_squeeze %dma_wait3A_276 : memref<1x128x128xf32, #tpu.memory_space<vmem>> -> memref<128x128xf32, #tpu.memory_space<vmem>>
        tpu.wait_dma2 semaphore(%run_scoped3A_253 : memref<!tpu.dma_semaphore, #tpu.memory_space<semaphore_mem>>) src(%dma_wait3A_277 : memref<128x128xf32, #tpu.memory_space<vmem>>) dst(%dma_wait3A_273 : memref<128x128xf32, #tpu.memory_space<hbm>>)
        tpu.yield
      }) : () -> ()
      %add3A_206 = arith.constant 4 : i32
      %add3A_207 = arith.addi %add3A_188, %add3A_206 : i32
      %dma_start3A_208 = arith.constant 2 : i32
      %dma_start3A_209 = arith.constant 0 : i32
      %dma_start3A_210 = arith.constant 0 : i32
      %dma_start3A_211 = tpu.memref_slice %arg6[%dma_start3A_208, %dma_start3A_209, %dma_start3A_210] : memref<4x128x128xf32, #tpu.memory_space<vmem>> -> memref<1x128x128xf32, #tpu.memory_space<vmem>>
      %dma_start3A_212 = tpu.memref_squeeze %dma_start3A_211 : memref<1x128x128xf32, #tpu.memory_space<vmem>> -> memref<128x128xf32, #tpu.memory_space<vmem>>
      %dma_start3A_213 = arith.constant 0 : i32
      %dma_start3A_214 = tpu.memref_slice %arg5[%add3A_207, %dma_start3A_213] : memref<104x128xi32, #tpu.memory_space<vmem>> -> memref<1x128xi32, #tpu.memory_space<vmem>>
      %dma_start3A_215 = tpu.memref_squeeze %dma_start3A_214 : memref<1x128xi32, #tpu.memory_space<vmem>> -> memref<128xi32, #tpu.memory_space<vmem>>
      %dma_start3A_216 = arith.constant 0 : i32
      %dma_start3A_217 = arith.constant 0 : i32
      %dma_start3A_218 = tpu.memref_slice %arg2[%dma_start3A_216, %dma_start3A_217] : memref<100000x128xf32, #tpu.memory_space<hbm>> -> memref<100000x128xf32, #tpu.memory_space<hbm>>
      tpu.enqueue_indirect_dma source(%dma_start3A_218 : memref<100000x128xf32, #tpu.memory_space<hbm>>) target(%dma_start3A_212 : memref<128x128xf32, #tpu.memory_space<vmem>>) offsets(%dma_start3A_215 : memref<128xi32, #tpu.memory_space<vmem>>) semaphore(%arg9 : memref<!tpu.dma_semaphore, #tpu.memory_space<semaphore_mem>>)
      %mul3A_219 = arith.constant 4 : i32
      %mul3A_220 = arith.muli %scan3A_116, %mul3A_219 : i32
      %add3A_221 = arith.constant 3 : i32
      %add3A_222 = arith.addi %mul3A_220, %add3A_221 : i32
      %dma_wait3A_223 = arith.constant 3 : i32
      %dma_wait3A_224 = arith.constant 3 : i32
      %dma_wait3A_225 = arith.constant 0 : i32
      %dma_wait3A_226 = arith.constant 0 : i32
      %dma_wait3A_227 = tpu.memref_slice %arg6[%dma_wait3A_224, %dma_wait3A_225, %dma_wait3A_226] : memref<4x128x128xf32, #tpu.memory_space<vmem>> -> memref<1x128x128xf32, #tpu.memory_space<vmem>>
      %dma_wait3A_228 = tpu.memref_squeeze %dma_wait3A_227 : memref<1x128x128xf32, #tpu.memory_space<vmem>> -> memref<128x128xf32, #tpu.memory_space<vmem>>
      %dma_wait3A_229 = arith.constant 0 : i32
      %dma_wait3A_230 = tpu.memref_slice %arg5[%dma_wait3A_223, %dma_wait3A_229] : memref<104x128xi32, #tpu.memory_space<vmem>> -> memref<1x128xi32, #tpu.memory_space<vmem>>
      %dma_wait3A_231 = tpu.memref_squeeze %dma_wait3A_230 : memref<1x128xi32, #tpu.memory_space<vmem>> -> memref<128xi32, #tpu.memory_space<vmem>>
      %dma_wait3A_232 = arith.constant 0 : i32
      %dma_wait3A_233 = arith.constant 0 : i32
      %dma_wait3A_234 = tpu.memref_slice %arg2[%dma_wait3A_232, %dma_wait3A_233] : memref<100000x128xf32, #tpu.memory_space<hbm>> -> memref<100000x128xf32, #tpu.memory_space<hbm>>
      tpu.wait_indirect_dma semaphore(%arg10 : memref<!tpu.dma_semaphore, #tpu.memory_space<semaphore_mem>>) src(%dma_wait3A_234 : memref<100000x128xf32, #tpu.memory_space<hbm>>) dst(%dma_wait3A_228 : memref<128x128xf32, #tpu.memory_space<vmem>>)
      %mul3A_235 = arith.constant 128 : i32
      %mul3A_236 = arith.muli %add3A_222, %mul3A_235 : i32
      %add3A_237 = arith.addi %mul3A_2, %mul3A_236 : i32
      %multiple_of3A_238 = tpu.assume_multiple %add3A_237, 128 : i32
      %run_scoped3A_239 = arith.constant 3 : i32
      "tpu.region"() ({
        %run_scoped3A_253 = tpu.sem_alloc : memref<!tpu.dma_semaphore, #tpu.memory_space<semaphore_mem>>
        %dma_start3A_254 = arith.constant 0 : i32
        %dma_start3A_255 = arith.constant 0 : i32
        %dma_start3A_256 = tpu.memref_slice %arg6[%run_scoped3A_239, %dma_start3A_254, %dma_start3A_255] : memref<4x128x128xf32, #tpu.memory_space<vmem>> -> memref<1x128x128xf32, #tpu.memory_space<vmem>>
        %dma_start3A_257 = tpu.memref_squeeze %dma_start3A_256 : memref<1x128x128xf32, #tpu.memory_space<vmem>> -> memref<128x128xf32, #tpu.memory_space<vmem>>
        %dma_start3A_258 = arith.constant 0 : i32
        %dma_start3A_259 = tpu.memref_slice %arg4[%multiple_of3A_238, %dma_start3A_258] : memref<425984x128xf32, #tpu.memory_space<hbm>> -> memref<128x128xf32, #tpu.memory_space<hbm>>
        %dma_start3A_260 = arith.constant 0 : i32
        %dma_start3A_261 = tpu.memref_slice %arg4[%multiple_of3A_238, %dma_start3A_260] : memref<425984x128xf32, #tpu.memory_space<hbm>> -> memref<128x128xf32, #tpu.memory_space<hbm>>
        %dma_start3A_262 = arith.constant 0 : i32
        %dma_start3A_263 = arith.constant 0 : i32
        %dma_start3A_264 = tpu.memref_slice %arg6[%run_scoped3A_239, %dma_start3A_262, %dma_start3A_263] : memref<4x128x128xf32, #tpu.memory_space<vmem>> -> memref<1x128x128xf32, #tpu.memory_space<vmem>>
        %dma_start3A_265 = tpu.memref_squeeze %dma_start3A_264 : memref<1x128x128xf32, #tpu.memory_space<vmem>> -> memref<128x128xf32, #tpu.memory_space<vmem>>
        tpu.enqueue_dma source(%dma_start3A_265 : memref<128x128xf32, #tpu.memory_space<vmem>>) target(%dma_start3A_261 : memref<128x128xf32, #tpu.memory_space<hbm>>) target_semaphore(%run_scoped3A_253 : memref<!tpu.dma_semaphore, #tpu.memory_space<semaphore_mem>>)
        %dma_wait3A_266 = arith.constant 0 : i32
        %dma_wait3A_267 = arith.constant 0 : i32
        %dma_wait3A_268 = tpu.memref_slice %arg6[%run_scoped3A_239, %dma_wait3A_266, %dma_wait3A_267] : memref<4x128x128xf32, #tpu.memory_space<vmem>> -> memref<1x128x128xf32, #tpu.memory_space<vmem>>
        %dma_wait3A_269 = tpu.memref_squeeze %dma_wait3A_268 : memref<1x128x128xf32, #tpu.memory_space<vmem>> -> memref<128x128xf32, #tpu.memory_space<vmem>>
        %dma_wait3A_270 = arith.constant 0 : i32
        %dma_wait3A_271 = tpu.memref_slice %arg4[%multiple_of3A_238, %dma_wait3A_270] : memref<425984x128xf32, #tpu.memory_space<hbm>> -> memref<128x128xf32, #tpu.memory_space<hbm>>
        %dma_wait3A_272 = arith.constant 0 : i32
        %dma_wait3A_273 = tpu.memref_slice %arg4[%multiple_of3A_238, %dma_wait3A_272] : memref<425984x128xf32, #tpu.memory_space<hbm>> -> memref<128x128xf32, #tpu.memory_space<hbm>>
        %dma_wait3A_274 = arith.constant 0 : i32
        %dma_wait3A_275 = arith.constant 0 : i32
        %dma_wait3A_276 = tpu.memref_slice %arg6[%run_scoped3A_239, %dma_wait3A_274, %dma_wait3A_275] : memref<4x128x128xf32, #tpu.memory_space<vmem>> -> memref<1x128x128xf32, #tpu.memory_space<vmem>>
        %dma_wait3A_277 = tpu.memref_squeeze %dma_wait3A_276 : memref<1x128x128xf32, #tpu.memory_space<vmem>> -> memref<128x128xf32, #tpu.memory_space<vmem>>
        tpu.wait_dma2 semaphore(%run_scoped3A_253 : memref<!tpu.dma_semaphore, #tpu.memory_space<semaphore_mem>>) src(%dma_wait3A_277 : memref<128x128xf32, #tpu.memory_space<vmem>>) dst(%dma_wait3A_273 : memref<128x128xf32, #tpu.memory_space<hbm>>)
        tpu.yield
      }) : () -> ()
      %add3A_240 = arith.constant 4 : i32
      %add3A_241 = arith.addi %add3A_222, %add3A_240 : i32
      %dma_start3A_242 = arith.constant 3 : i32
      %dma_start3A_243 = arith.constant 0 : i32
      %dma_start3A_244 = arith.constant 0 : i32
      %dma_start3A_245 = tpu.memref_slice %arg6[%dma_start3A_242, %dma_start3A_243, %dma_start3A_244] : memref<4x128x128xf32, #tpu.memory_space<vmem>> -> memref<1x128x128xf32, #tpu.memory_space<vmem>>
      %dma_start3A_246 = tpu.memref_squeeze %dma_start3A_245 : memref<1x128x128xf32, #tpu.memory_space<vmem>> -> memref<128x128xf32, #tpu.memory_space<vmem>>
      %dma_start3A_247 = arith.constant 0 : i32
      %dma_start3A_248 = tpu.memref_slice %arg5[%add3A_241, %dma_start3A_247] : memref<104x128xi32, #tpu.memory_space<vmem>> -> memref<1x128xi32, #tpu.memory_space<vmem>>
      %dma_start3A_249 = tpu.memref_squeeze %dma_start3A_248 : memref<1x128xi32, #tpu.memory_space<vmem>> -> memref<128xi32, #tpu.memory_space<vmem>>
      %dma_start3A_250 = arith.constant 0 : i32
      %dma_start3A_251 = arith.constant 0 : i32
      %dma_start3A_252 = tpu.memref_slice %arg2[%dma_start3A_250, %dma_start3A_251] : memref<100000x128xf32, #tpu.memory_space<hbm>> -> memref<100000x128xf32, #tpu.memory_space<hbm>>
      tpu.enqueue_indirect_dma source(%dma_start3A_252 : memref<100000x128xf32, #tpu.memory_space<hbm>>) target(%dma_start3A_246 : memref<128x128xf32, #tpu.memory_space<vmem>>) offsets(%dma_start3A_249 : memref<128xi32, #tpu.memory_space<vmem>>) semaphore(%arg10 : memref<!tpu.dma_semaphore, #tpu.memory_space<semaphore_mem>>)
    }
    %scan3A_54 = arith.constant 25 : i32
    %dma_wait3A = arith.constant 0 : i32
    %dma_wait3A_55 = arith.constant 0 : i32
    %dma_wait3A_56 = arith.constant 0 : i32
    %dma_wait3A_57 = arith.constant 0 : i32
    %dma_wait3A_58 = tpu.memref_slice %arg6[%dma_wait3A_55, %dma_wait3A_56, %dma_wait3A_57] : memref<4x128x128xf32, #tpu.memory_space<vmem>> -> memref<1x128x128xf32, #tpu.memory_space<vmem>>
    %dma_wait3A_59 = tpu.memref_squeeze %dma_wait3A_58 : memref<1x128x128xf32, #tpu.memory_space<vmem>> -> memref<128x128xf32, #tpu.memory_space<vmem>>
    %dma_wait3A_60 = arith.constant 0 : i32
    %dma_wait3A_61 = tpu.memref_slice %arg5[%dma_wait3A, %dma_wait3A_60] : memref<104x128xi32, #tpu.memory_space<vmem>> -> memref<1x128xi32, #tpu.memory_space<vmem>>
    %dma_wait3A_62 = tpu.memref_squeeze %dma_wait3A_61 : memref<1x128xi32, #tpu.memory_space<vmem>> -> memref<128xi32, #tpu.memory_space<vmem>>
    %dma_wait3A_63 = arith.constant 0 : i32
    %dma_wait3A_64 = arith.constant 0 : i32
    %dma_wait3A_65 = tpu.memref_slice %arg2[%dma_wait3A_63, %dma_wait3A_64] : memref<100000x128xf32, #tpu.memory_space<hbm>> -> memref<100000x128xf32, #tpu.memory_space<hbm>>
    tpu.wait_indirect_dma semaphore(%arg7 : memref<!tpu.dma_semaphore, #tpu.memory_space<semaphore_mem>>) src(%dma_wait3A_65 : memref<100000x128xf32, #tpu.memory_space<hbm>>) dst(%dma_wait3A_59 : memref<128x128xf32, #tpu.memory_space<vmem>>)
    %add3A_66 = arith.constant 12800 : i32
    %add3A_67 = arith.addi %mul3A_2, %add3A_66 : i32
    %multiple_of3A = tpu.assume_multiple %add3A_67, 128 : i32
    %run_scoped3A = arith.constant 0 : i32
    "tpu.region"() ({
      %run_scoped3A_116 = tpu.sem_alloc : memref<!tpu.dma_semaphore, #tpu.memory_space<semaphore_mem>>
      %dma_start3A_117 = arith.constant 0 : i32
      %dma_start3A_118 = arith.constant 0 : i32
      %dma_start3A_119 = tpu.memref_slice %arg6[%run_scoped3A, %dma_start3A_117, %dma_start3A_118] : memref<4x128x128xf32, #tpu.memory_space<vmem>> -> memref<1x128x128xf32, #tpu.memory_space<vmem>>
      %dma_start3A_120 = tpu.memref_squeeze %dma_start3A_119 : memref<1x128x128xf32, #tpu.memory_space<vmem>> -> memref<128x128xf32, #tpu.memory_space<vmem>>
      %dma_start3A_121 = arith.constant 0 : i32
      %dma_start3A_122 = tpu.memref_slice %arg4[%multiple_of3A, %dma_start3A_121] : memref<425984x128xf32, #tpu.memory_space<hbm>> -> memref<128x128xf32, #tpu.memory_space<hbm>>
      %dma_start3A_123 = arith.constant 0 : i32
      %dma_start3A_124 = tpu.memref_slice %arg4[%multiple_of3A, %dma_start3A_123] : memref<425984x128xf32, #tpu.memory_space<hbm>> -> memref<128x128xf32, #tpu.memory_space<hbm>>
      %dma_start3A_125 = arith.constant 0 : i32
      %dma_start3A_126 = arith.constant 0 : i32
      %dma_start3A_127 = tpu.memref_slice %arg6[%run_scoped3A, %dma_start3A_125, %dma_start3A_126] : memref<4x128x128xf32, #tpu.memory_space<vmem>> -> memref<1x128x128xf32, #tpu.memory_space<vmem>>
      %dma_start3A_128 = tpu.memref_squeeze %dma_start3A_127 : memref<1x128x128xf32, #tpu.memory_space<vmem>> -> memref<128x128xf32, #tpu.memory_space<vmem>>
      tpu.enqueue_dma source(%dma_start3A_128 : memref<128x128xf32, #tpu.memory_space<vmem>>) target(%dma_start3A_124 : memref<128x128xf32, #tpu.memory_space<hbm>>) target_semaphore(%run_scoped3A_116 : memref<!tpu.dma_semaphore, #tpu.memory_space<semaphore_mem>>)
      %dma_wait3A_129 = arith.constant 0 : i32
      %dma_wait3A_130 = arith.constant 0 : i32
      %dma_wait3A_131 = tpu.memref_slice %arg6[%run_scoped3A, %dma_wait3A_129, %dma_wait3A_130] : memref<4x128x128xf32, #tpu.memory_space<vmem>> -> memref<1x128x128xf32, #tpu.memory_space<vmem>>
      %dma_wait3A_132 = tpu.memref_squeeze %dma_wait3A_131 : memref<1x128x128xf32, #tpu.memory_space<vmem>> -> memref<128x128xf32, #tpu.memory_space<vmem>>
      %dma_wait3A_133 = arith.constant 0 : i32
      %dma_wait3A_134 = tpu.memref_slice %arg4[%multiple_of3A, %dma_wait3A_133] : memref<425984x128xf32, #tpu.memory_space<hbm>> -> memref<128x128xf32, #tpu.memory_space<hbm>>
      %dma_wait3A_135 = arith.constant 0 : i32
      %dma_wait3A_136 = tpu.memref_slice %arg4[%multiple_of3A, %dma_wait3A_135] : memref<425984x128xf32, #tpu.memory_space<hbm>> -> memref<128x128xf32, #tpu.memory_space<hbm>>
      %dma_wait3A_137 = arith.constant 0 : i32
      %dma_wait3A_138 = arith.constant 0 : i32
      %dma_wait3A_139 = tpu.memref_slice %arg6[%run_scoped3A, %dma_wait3A_137, %dma_wait3A_138] : memref<4x128x128xf32, #tpu.memory_space<vmem>> -> memref<1x128x128xf32, #tpu.memory_space<vmem>>
      %dma_wait3A_140 = tpu.memref_squeeze %dma_wait3A_139 : memref<1x128x128xf32, #tpu.memory_space<vmem>> -> memref<128x128xf32, #tpu.memory_space<vmem>>
      tpu.wait_dma2 semaphore(%run_scoped3A_116 : memref<!tpu.dma_semaphore, #tpu.memory_space<semaphore_mem>>) src(%dma_wait3A_140 : memref<128x128xf32, #tpu.memory_space<vmem>>) dst(%dma_wait3A_136 : memref<128x128xf32, #tpu.memory_space<hbm>>)
      tpu.yield
    }) : () -> ()
    %dma_wait3A_68 = arith.constant 1 : i32
    %dma_wait3A_69 = arith.constant 1 : i32
    %dma_wait3A_70 = arith.constant 0 : i32
    %dma_wait3A_71 = arith.constant 0 : i32
    %dma_wait3A_72 = tpu.memref_slice %arg6[%dma_wait3A_69, %dma_wait3A_70, %dma_wait3A_71] : memref<4x128x128xf32, #tpu.memory_space<vmem>> -> memref<1x128x128xf32, #tpu.memory_space<vmem>>
    %dma_wait3A_73 = tpu.memref_squeeze %dma_wait3A_72 : memref<1x128x128xf32, #tpu.memory_space<vmem>> -> memref<128x128xf32, #tpu.memory_space<vmem>>
    %dma_wait3A_74 = arith.constant 0 : i32
    %dma_wait3A_75 = tpu.memref_slice %arg5[%dma_wait3A_68, %dma_wait3A_74] : memref<104x128xi32, #tpu.memory_space<vmem>> -> memref<1x128xi32, #tpu.memory_space<vmem>>
    %dma_wait3A_76 = tpu.memref_squeeze %dma_wait3A_75 : memref<1x128xi32, #tpu.memory_space<vmem>> -> memref<128xi32, #tpu.memory_space<vmem>>
    %dma_wait3A_77 = arith.constant 0 : i32
    %dma_wait3A_78 = arith.constant 0 : i32
    %dma_wait3A_79 = tpu.memref_slice %arg2[%dma_wait3A_77, %dma_wait3A_78] : memref<100000x128xf32, #tpu.memory_space<hbm>> -> memref<100000x128xf32, #tpu.memory_space<hbm>>
    tpu.wait_indirect_dma semaphore(%arg8 : memref<!tpu.dma_semaphore, #tpu.memory_space<semaphore_mem>>) src(%dma_wait3A_79 : memref<100000x128xf32, #tpu.memory_space<hbm>>) dst(%dma_wait3A_73 : memref<128x128xf32, #tpu.memory_space<vmem>>)
    %add3A_80 = arith.constant 12928 : i32
    %add3A_81 = arith.addi %mul3A_2, %add3A_80 : i32
    %multiple_of3A_82 = tpu.assume_multiple %add3A_81, 128 : i32
    %run_scoped3A_83 = arith.constant 1 : i32
    "tpu.region"() ({
      %run_scoped3A_116 = tpu.sem_alloc : memref<!tpu.dma_semaphore, #tpu.memory_space<semaphore_mem>>
      %dma_start3A_117 = arith.constant 0 : i32
      %dma_start3A_118 = arith.constant 0 : i32
      %dma_start3A_119 = tpu.memref_slice %arg6[%run_scoped3A_83, %dma_start3A_117, %dma_start3A_118] : memref<4x128x128xf32, #tpu.memory_space<vmem>> -> memref<1x128x128xf32, #tpu.memory_space<vmem>>
      %dma_start3A_120 = tpu.memref_squeeze %dma_start3A_119 : memref<1x128x128xf32, #tpu.memory_space<vmem>> -> memref<128x128xf32, #tpu.memory_space<vmem>>
      %dma_start3A_121 = arith.constant 0 : i32
      %dma_start3A_122 = tpu.memref_slice %arg4[%multiple_of3A_82, %dma_start3A_121] : memref<425984x128xf32, #tpu.memory_space<hbm>> -> memref<128x128xf32, #tpu.memory_space<hbm>>
      %dma_start3A_123 = arith.constant 0 : i32
      %dma_start3A_124 = tpu.memref_slice %arg4[%multiple_of3A_82, %dma_start3A_123] : memref<425984x128xf32, #tpu.memory_space<hbm>> -> memref<128x128xf32, #tpu.memory_space<hbm>>
      %dma_start3A_125 = arith.constant 0 : i32
      %dma_start3A_126 = arith.constant 0 : i32
      %dma_start3A_127 = tpu.memref_slice %arg6[%run_scoped3A_83, %dma_start3A_125, %dma_start3A_126] : memref<4x128x128xf32, #tpu.memory_space<vmem>> -> memref<1x128x128xf32, #tpu.memory_space<vmem>>
      %dma_start3A_128 = tpu.memref_squeeze %dma_start3A_127 : memref<1x128x128xf32, #tpu.memory_space<vmem>> -> memref<128x128xf32, #tpu.memory_space<vmem>>
      tpu.enqueue_dma source(%dma_start3A_128 : memref<128x128xf32, #tpu.memory_space<vmem>>) target(%dma_start3A_124 : memref<128x128xf32, #tpu.memory_space<hbm>>) target_semaphore(%run_scoped3A_116 : memref<!tpu.dma_semaphore, #tpu.memory_space<semaphore_mem>>)
      %dma_wait3A_129 = arith.constant 0 : i32
      %dma_wait3A_130 = arith.constant 0 : i32
      %dma_wait3A_131 = tpu.memref_slice %arg6[%run_scoped3A_83, %dma_wait3A_129, %dma_wait3A_130] : memref<4x128x128xf32, #tpu.memory_space<vmem>> -> memref<1x128x128xf32, #tpu.memory_space<vmem>>
      %dma_wait3A_132 = tpu.memref_squeeze %dma_wait3A_131 : memref<1x128x128xf32, #tpu.memory_space<vmem>> -> memref<128x128xf32, #tpu.memory_space<vmem>>
      %dma_wait3A_133 = arith.constant 0 : i32
      %dma_wait3A_134 = tpu.memref_slice %arg4[%multiple_of3A_82, %dma_wait3A_133] : memref<425984x128xf32, #tpu.memory_space<hbm>> -> memref<128x128xf32, #tpu.memory_space<hbm>>
      %dma_wait3A_135 = arith.constant 0 : i32
      %dma_wait3A_136 = tpu.memref_slice %arg4[%multiple_of3A_82, %dma_wait3A_135] : memref<425984x128xf32, #tpu.memory_space<hbm>> -> memref<128x128xf32, #tpu.memory_space<hbm>>
      %dma_wait3A_137 = arith.constant 0 : i32
      %dma_wait3A_138 = arith.constant 0 : i32
      %dma_wait3A_139 = tpu.memref_slice %arg6[%run_scoped3A_83, %dma_wait3A_137, %dma_wait3A_138] : memref<4x128x128xf32, #tpu.memory_space<vmem>> -> memref<1x128x128xf32, #tpu.memory_space<vmem>>
      %dma_wait3A_140 = tpu.memref_squeeze %dma_wait3A_139 : memref<1x128x128xf32, #tpu.memory_space<vmem>> -> memref<128x128xf32, #tpu.memory_space<vmem>>
      tpu.wait_dma2 semaphore(%run_scoped3A_116 : memref<!tpu.dma_semaphore, #tpu.memory_space<semaphore_mem>>) src(%dma_wait3A_140 : memref<128x128xf32, #tpu.memory_space<vmem>>) dst(%dma_wait3A_136 : memref<128x128xf32, #tpu.memory_space<hbm>>)
      tpu.yield
    }) : () -> ()
    %dma_wait3A_84 = arith.constant 2 : i32
    %dma_wait3A_85 = arith.constant 2 : i32
    %dma_wait3A_86 = arith.constant 0 : i32
    %dma_wait3A_87 = arith.constant 0 : i32
    %dma_wait3A_88 = tpu.memref_slice %arg6[%dma_wait3A_85, %dma_wait3A_86, %dma_wait3A_87] : memref<4x128x128xf32, #tpu.memory_space<vmem>> -> memref<1x128x128xf32, #tpu.memory_space<vmem>>
    %dma_wait3A_89 = tpu.memref_squeeze %dma_wait3A_88 : memref<1x128x128xf32, #tpu.memory_space<vmem>> -> memref<128x128xf32, #tpu.memory_space<vmem>>
    %dma_wait3A_90 = arith.constant 0 : i32
    %dma_wait3A_91 = tpu.memref_slice %arg5[%dma_wait3A_84, %dma_wait3A_90] : memref<104x128xi32, #tpu.memory_space<vmem>> -> memref<1x128xi32, #tpu.memory_space<vmem>>
    %dma_wait3A_92 = tpu.memref_squeeze %dma_wait3A_91 : memref<1x128xi32, #tpu.memory_space<vmem>> -> memref<128xi32, #tpu.memory_space<vmem>>
    %dma_wait3A_93 = arith.constant 0 : i32
    %dma_wait3A_94 = arith.constant 0 : i32
    %dma_wait3A_95 = tpu.memref_slice %arg2[%dma_wait3A_93, %dma_wait3A_94] : memref<100000x128xf32, #tpu.memory_space<hbm>> -> memref<100000x128xf32, #tpu.memory_space<hbm>>
    tpu.wait_indirect_dma semaphore(%arg9 : memref<!tpu.dma_semaphore, #tpu.memory_space<semaphore_mem>>) src(%dma_wait3A_95 : memref<100000x128xf32, #tpu.memory_space<hbm>>) dst(%dma_wait3A_89 : memref<128x128xf32, #tpu.memory_space<vmem>>)
    %add3A_96 = arith.constant 13056 : i32
    %add3A_97 = arith.addi %mul3A_2, %add3A_96 : i32
    %multiple_of3A_98 = tpu.assume_multiple %add3A_97, 128 : i32
    %run_scoped3A_99 = arith.constant 2 : i32
    "tpu.region"() ({
      %run_scoped3A_116 = tpu.sem_alloc : memref<!tpu.dma_semaphore, #tpu.memory_space<semaphore_mem>>
      %dma_start3A_117 = arith.constant 0 : i32
      %dma_start3A_118 = arith.constant 0 : i32
      %dma_start3A_119 = tpu.memref_slice %arg6[%run_scoped3A_99, %dma_start3A_117, %dma_start3A_118] : memref<4x128x128xf32, #tpu.memory_space<vmem>> -> memref<1x128x128xf32, #tpu.memory_space<vmem>>
      %dma_start3A_120 = tpu.memref_squeeze %dma_start3A_119 : memref<1x128x128xf32, #tpu.memory_space<vmem>> -> memref<128x128xf32, #tpu.memory_space<vmem>>
      %dma_start3A_121 = arith.constant 0 : i32
      %dma_start3A_122 = tpu.memref_slice %arg4[%multiple_of3A_98, %dma_start3A_121] : memref<425984x128xf32, #tpu.memory_space<hbm>> -> memref<128x128xf32, #tpu.memory_space<hbm>>
      %dma_start3A_123 = arith.constant 0 : i32
      %dma_start3A_124 = tpu.memref_slice %arg4[%multiple_of3A_98, %dma_start3A_123] : memref<425984x128xf32, #tpu.memory_space<hbm>> -> memref<128x128xf32, #tpu.memory_space<hbm>>
      %dma_start3A_125 = arith.constant 0 : i32
      %dma_start3A_126 = arith.constant 0 : i32
      %dma_start3A_127 = tpu.memref_slice %arg6[%run_scoped3A_99, %dma_start3A_125, %dma_start3A_126] : memref<4x128x128xf32, #tpu.memory_space<vmem>> -> memref<1x128x128xf32, #tpu.memory_space<vmem>>
      %dma_start3A_128 = tpu.memref_squeeze %dma_start3A_127 : memref<1x128x128xf32, #tpu.memory_space<vmem>> -> memref<128x128xf32, #tpu.memory_space<vmem>>
      tpu.enqueue_dma source(%dma_start3A_128 : memref<128x128xf32, #tpu.memory_space<vmem>>) target(%dma_start3A_124 : memref<128x128xf32, #tpu.memory_space<hbm>>) target_semaphore(%run_scoped3A_116 : memref<!tpu.dma_semaphore, #tpu.memory_space<semaphore_mem>>)
      %dma_wait3A_129 = arith.constant 0 : i32
      %dma_wait3A_130 = arith.constant 0 : i32
      %dma_wait3A_131 = tpu.memref_slice %arg6[%run_scoped3A_99, %dma_wait3A_129, %dma_wait3A_130] : memref<4x128x128xf32, #tpu.memory_space<vmem>> -> memref<1x128x128xf32, #tpu.memory_space<vmem>>
      %dma_wait3A_132 = tpu.memref_squeeze %dma_wait3A_131 : memref<1x128x128xf32, #tpu.memory_space<vmem>> -> memref<128x128xf32, #tpu.memory_space<vmem>>
      %dma_wait3A_133 = arith.constant 0 : i32
      %dma_wait3A_134 = tpu.memref_slice %arg4[%multiple_of3A_98, %dma_wait3A_133] : memref<425984x128xf32, #tpu.memory_space<hbm>> -> memref<128x128xf32, #tpu.memory_space<hbm>>
      %dma_wait3A_135 = arith.constant 0 : i32
      %dma_wait3A_136 = tpu.memref_slice %arg4[%multiple_of3A_98, %dma_wait3A_135] : memref<425984x128xf32, #tpu.memory_space<hbm>> -> memref<128x128xf32, #tpu.memory_space<hbm>>
      %dma_wait3A_137 = arith.constant 0 : i32
      %dma_wait3A_138 = arith.constant 0 : i32
      %dma_wait3A_139 = tpu.memref_slice %arg6[%run_scoped3A_99, %dma_wait3A_137, %dma_wait3A_138] : memref<4x128x128xf32, #tpu.memory_space<vmem>> -> memref<1x128x128xf32, #tpu.memory_space<vmem>>
      %dma_wait3A_140 = tpu.memref_squeeze %dma_wait3A_139 : memref<1x128x128xf32, #tpu.memory_space<vmem>> -> memref<128x128xf32, #tpu.memory_space<vmem>>
      tpu.wait_dma2 semaphore(%run_scoped3A_116 : memref<!tpu.dma_semaphore, #tpu.memory_space<semaphore_mem>>) src(%dma_wait3A_140 : memref<128x128xf32, #tpu.memory_space<vmem>>) dst(%dma_wait3A_136 : memref<128x128xf32, #tpu.memory_space<hbm>>)
      tpu.yield
    }) : () -> ()
    %dma_wait3A_100 = arith.constant 3 : i32
    %dma_wait3A_101 = arith.constant 3 : i32
    %dma_wait3A_102 = arith.constant 0 : i32
    %dma_wait3A_103 = arith.constant 0 : i32
    %dma_wait3A_104 = tpu.memref_slice %arg6[%dma_wait3A_101, %dma_wait3A_102, %dma_wait3A_103] : memref<4x128x128xf32, #tpu.memory_space<vmem>> -> memref<1x128x128xf32, #tpu.memory_space<vmem>>
    %dma_wait3A_105 = tpu.memref_squeeze %dma_wait3A_104 : memref<1x128x128xf32, #tpu.memory_space<vmem>> -> memref<128x128xf32, #tpu.memory_space<vmem>>
    %dma_wait3A_106 = arith.constant 0 : i32
    %dma_wait3A_107 = tpu.memref_slice %arg5[%dma_wait3A_100, %dma_wait3A_106] : memref<104x128xi32, #tpu.memory_space<vmem>> -> memref<1x128xi32, #tpu.memory_space<vmem>>
    %dma_wait3A_108 = tpu.memref_squeeze %dma_wait3A_107 : memref<1x128xi32, #tpu.memory_space<vmem>> -> memref<128xi32, #tpu.memory_space<vmem>>
    %dma_wait3A_109 = arith.constant 0 : i32
    %dma_wait3A_110 = arith.constant 0 : i32
    %dma_wait3A_111 = tpu.memref_slice %arg2[%dma_wait3A_109, %dma_wait3A_110] : memref<100000x128xf32, #tpu.memory_space<hbm>> -> memref<100000x128xf32, #tpu.memory_space<hbm>>
    tpu.wait_indirect_dma semaphore(%arg10 : memref<!tpu.dma_semaphore, #tpu.memory_space<semaphore_mem>>) src(%dma_wait3A_111 : memref<100000x128xf32, #tpu.memory_space<hbm>>) dst(%dma_wait3A_105 : memref<128x128xf32, #tpu.memory_space<vmem>>)
    %add3A_112 = arith.constant 13184 : i32
    %add3A_113 = arith.addi %mul3A_2, %add3A_112 : i32
    %multiple_of3A_114 = tpu.assume_multiple %add3A_113, 128 : i32
    %run_scoped3A_115 = arith.constant 3 : i32
    "tpu.region"() ({
      %run_scoped3A_116 = tpu.sem_alloc : memref<!tpu.dma_semaphore, #tpu.memory_space<semaphore_mem>>
      %dma_start3A_117 = arith.constant 0 : i32
      %dma_start3A_118 = arith.constant 0 : i32
      %dma_start3A_119 = tpu.memref_slice %arg6[%run_scoped3A_115, %dma_start3A_117, %dma_start3A_118] : memref<4x128x128xf32, #tpu.memory_space<vmem>> -> memref<1x128x128xf32, #tpu.memory_space<vmem>>
      %dma_start3A_120 = tpu.memref_squeeze %dma_start3A_119 : memref<1x128x128xf32, #tpu.memory_space<vmem>> -> memref<128x128xf32, #tpu.memory_space<vmem>>
      %dma_start3A_121 = arith.constant 0 : i32
      %dma_start3A_122 = tpu.memref_slice %arg4[%multiple_of3A_114, %dma_start3A_121] : memref<425984x128xf32, #tpu.memory_space<hbm>> -> memref<128x128xf32, #tpu.memory_space<hbm>>
      %dma_start3A_123 = arith.constant 0 : i32
      %dma_start3A_124 = tpu.memref_slice %arg4[%multiple_of3A_114, %dma_start3A_123] : memref<425984x128xf32, #tpu.memory_space<hbm>> -> memref<128x128xf32, #tpu.memory_space<hbm>>
      %dma_start3A_125 = arith.constant 0 : i32
      %dma_start3A_126 = arith.constant 0 : i32
      %dma_start3A_127 = tpu.memref_slice %arg6[%run_scoped3A_115, %dma_start3A_125, %dma_start3A_126] : memref<4x128x128xf32, #tpu.memory_space<vmem>> -> memref<1x128x128xf32, #tpu.memory_space<vmem>>
      %dma_start3A_128 = tpu.memref_squeeze %dma_start3A_127 : memref<1x128x128xf32, #tpu.memory_space<vmem>> -> memref<128x128xf32, #tpu.memory_space<vmem>>
      tpu.enqueue_dma source(%dma_start3A_128 : memref<128x128xf32, #tpu.memory_space<vmem>>) target(%dma_start3A_124 : memref<128x128xf32, #tpu.memory_space<hbm>>) target_semaphore(%run_scoped3A_116 : memref<!tpu.dma_semaphore, #tpu.memory_space<semaphore_mem>>)
      %dma_wait3A_129 = arith.constant 0 : i32
      %dma_wait3A_130 = arith.constant 0 : i32
      %dma_wait3A_131 = tpu.memref_slice %arg6[%run_scoped3A_115, %dma_wait3A_129, %dma_wait3A_130] : memref<4x128x128xf32, #tpu.memory_space<vmem>> -> memref<1x128x128xf32, #tpu.memory_space<vmem>>
      %dma_wait3A_132 = tpu.memref_squeeze %dma_wait3A_131 : memref<1x128x128xf32, #tpu.memory_space<vmem>> -> memref<128x128xf32, #tpu.memory_space<vmem>>
      %dma_wait3A_133 = arith.constant 0 : i32
      %dma_wait3A_134 = tpu.memref_slice %arg4[%multiple_of3A_114, %dma_wait3A_133] : memref<425984x128xf32, #tpu.memory_space<hbm>> -> memref<128x128xf32, #tpu.memory_space<hbm>>
      %dma_wait3A_135 = arith.constant 0 : i32
      %dma_wait3A_136 = tpu.memref_slice %arg4[%multiple_of3A_114, %dma_wait3A_135] : memref<425984x128xf32, #tpu.memory_space<hbm>> -> memref<128x128xf32, #tpu.memory_space<hbm>>
      %dma_wait3A_137 = arith.constant 0 : i32
      %dma_wait3A_138 = arith.constant 0 : i32
      %dma_wait3A_139 = tpu.memref_slice %arg6[%run_scoped3A_115, %dma_wait3A_137, %dma_wait3A_138] : memref<4x128x128xf32, #tpu.memory_space<vmem>> -> memref<1x128x128xf32, #tpu.memory_space<vmem>>
      %dma_wait3A_140 = tpu.memref_squeeze %dma_wait3A_139 : memref<1x128x128xf32, #tpu.memory_space<vmem>> -> memref<128x128xf32, #tpu.memory_space<vmem>>
      tpu.wait_dma2 semaphore(%run_scoped3A_116 : memref<!tpu.dma_semaphore, #tpu.memory_space<semaphore_mem>>) src(%dma_wait3A_140 : memref<128x128xf32, #tpu.memory_space<vmem>>) dst(%dma_wait3A_136 : memref<128x128xf32, #tpu.memory_space<hbm>>)
      tpu.yield
    }) : () -> ()
    return
  }
}

module attributes {stable_mosaic.version = 14 : i64} {
  func.func @_transform_body(%arg0: i32, %arg1: memref<4000x128xf32, #tpu.memory_space<vmem>>, %arg2: memref<128x128xf32, #tpu.memory_space<vmem>>, %arg3: memref<1x128xf32, #tpu.memory_space<vmem>>, %arg4: memref<4000x128xf32, #tpu.memory_space<vmem>>) attributes {dimension_semantics = [#tpu.dimension_semantics<arbitrary>], iteration_bounds = array<i64: 25>, scalar_prefetch = 0 : i64, scratch_operands = 0 : i64, tpu.core_type = #tpu.core_type<tc>, window_params = [{transform_indices = @transform_0, window_bounds = array<i64: 4000, 128>}, {pipeline_mode = #tpu.pipeline_mode<synchronous>, transform_indices = @transform_1, window_bounds = array<i64: 128, 128>}, {pipeline_mode = #tpu.pipeline_mode<synchronous>, transform_indices = @transform_2, window_bounds = array<i64: 1, 128>}, {transform_indices = @transform_3, window_bounds = array<i64: 4000, 128>}]} {
    %get3A = arith.constant 0 : index
    %get3A_0 = arith.constant 0 : index
    %get3A_1 = vector.load %arg1[%get3A, %get3A_0] : memref<4000x128xf32, #tpu.memory_space<vmem>>, vector<4000x128xf32>
    %get3A_2 = arith.constant 0 : index
    %get3A_3 = arith.constant 0 : index
    %get3A_4 = vector.load %arg2[%get3A_2, %get3A_3] : memref<128x128xf32, #tpu.memory_space<vmem>>, vector<128x128xf32>
    %dot_general3A = arith.constant dense<0.000000e+00> : vector<4000x128xf32>
    %dot_general3A_5 = tpu.matmul %get3A_1, %get3A_4, %dot_general3A {dimension_numbers = #tpu.dot_dimension_numbers<[1], [0], [0], [1], [0, 0, 1, 1], [], []>, transpose_lhs_hint = false} : vector<4000x128xf32>, vector<128x128xf32>, vector<4000x128xf32> -> vector<4000x128xf32>
    %get3A_6 = arith.constant 0 : index
    %get3A_7 = arith.constant 0 : index
    %get3A_8 = vector.load %arg3[%get3A_6, %get3A_7] : memref<1x128xf32, #tpu.memory_space<vmem>>, vector<1x128xf32>
    %add3A = vector.broadcast %get3A_8 : vector<1x128xf32> to vector<4000x128xf32>
    %add3A_9 = arith.addf %dot_general3A_5, %add3A : vector<4000x128xf32>
    %ge3A = arith.constant 0.000000e+00 : f32
    %ge3A_10 = vector.broadcast %ge3A : f32 to vector<4000x128xf32>
    %ge3A_11 = arith.cmpf oge, %add3A_9, %ge3A_10 : vector<4000x128xf32>
    %mul3A = arith.constant 0.00999999977 : f32
    %mul3A_12 = vector.broadcast %mul3A : f32 to vector<4000x128xf32>
    %mul3A_13 = arith.mulf %mul3A_12, %add3A_9 : vector<4000x128xf32>
    %select_n3A = arith.select %ge3A_11, %add3A_9, %mul3A_13 : vector<4000x128xi1>, vector<4000x128xf32>
    %swap3A = arith.constant 0 : index
    %swap3A_14 = arith.constant 0 : index
    %swap3A_15 = vector.load %arg4[%swap3A, %swap3A_14] : memref<4000x128xf32, #tpu.memory_space<vmem>>, vector<4000x128xf32>
    tpu.vector_store %arg4[%swap3A, %swap3A_14], %select_n3A {strides = array<i32>} : memref<4000x128xf32, #tpu.memory_space<vmem>>, vector<4000x128xf32>,
    return
  }
  func.func @transform_0(%arg0: i32) -> (i32, i32) {
    %c0_i32 = arith.constant 0 : i32
    %c0_i32_0 = arith.constant 0 : i32
    return %arg0, %c0_i32 : i32, i32
  }
  func.func @transform_1(%arg0: i32) -> (i32, i32) {
    %c0_i32 = arith.constant 0 : i32
    %c0_i32_0 = arith.constant 0 : i32
    %c0_i32_1 = arith.constant 0 : i32
    return %c0_i32, %c0_i32_0 : i32, i32
  }
  func.func @transform_2(%arg0: i32) -> (i32, i32) {
    %c0_i32 = arith.constant 0 : i32
    %c0_i32_0 = arith.constant 0 : i32
    %c0_i32_1 = arith.constant 0 : i32
    return %c0_i32, %c0_i32_0 : i32, i32
  }
  func.func @transform_3(%arg0: i32) -> (i32, i32) {
    %c0_i32 = arith.constant 0 : i32
    %c0_i32_0 = arith.constant 0 : i32
    return %arg0, %c0_i32 : i32, i32
  }
}

</mosaic_0001>

<sc_bundles>
// kernel: kernel.4.cloned.1.call-start
scs
__scs_entry_jumppad:
0x0: {  	(pc) =	sbr.rel $0x88, $3  }
0x1: {  	(tag) =	ssettag $0x0;
	lr =	simm.s32 $0x1  }
0x2: {  	[smem:$0x3F9D] =	sst lr;
	_ =	strace $0xD0000000  }
0x3: {  	_ = 	snop  }
0x4: {  	_ = 	snop  }
0x5: {  	_ = 	snop  }
0x6: {  	_ = 	snop  }
0x7: {  	_ = 	snop  }
__scs_overlays_trampoline_lowered:
0x8: {  	[smem:$0x3FAC] =	sst s0  }
0x9: {  	[smem:$0x3FAD] =	sst s1  }
0xa: {  	[smem:$0x3FAE] =	sst s2  }
0xb: {  	[smem:$0x3FAF] =	sst s3  }
0xc: {  	[smem:$0x3FB0] =	sst s4  }
0xd: {  	[smem:$0x3FB1] =	sst s5  }
0xe: {  	[smem:$0x3FB2] =	sst s6  }
0xf: {  	[smem:$0x3FB3] =	sst s7  }
0x10: {  	[smem:$0x3FB4] =	sst s8  }
0x11: {  	[smem:$0x3FB5] =	sst s9;
	s0 =	simm.s32 @!p0 $0x0  }
0x12: {  	s1 =	sld [smem:$0x3F9B];
	s0 =	simm.s32 @p0 $0x1  }
0x13: {  	[smem:$0x3FB6] =	sst s0;
	s0 =	simm.s32 @!p1 $0x0  }
0x14: {  	s2 =	sld [smem:$0x3F9A];
	s0 =	simm.s32 @p1 $0x1  }
0x15: {  	[smem:$0x3FB7] =	sst s0;
	s0 =	simm.s32 @!p2 $0x0  }
0x16: {  	s3 =	sld [smem:$0x3FDB];
	s0 =	simm.s32 @p2 $0x1  }
0x17: {  	s4 =	simm.s32 $0x1BF5;
	[smem:$0x3FB9] =	sst s0  }
0x18: {  	s0 =	sld [smem:$0x3F9C];
	_ =	swait.ge [sflag:s4], $0x0  }
0x19: {  	s7 =	sld [smem:$0x3F9D]  }
0x1a: {  	s8 =	sadd.s32 $0xFFFFE003, lr  }
0x1b: {  	s9 =	sadd.s32 $0xFFFFFEF7, lr;
	s5 =	simm.s32 $0xFFFFFFFF;
	p2 =	slt.u32 s8, $0xFFFFF086  }
0x1c: {  	p1 =	slt.u32 s9, $0xF7A;
	s5 =	simm.s32 @!p2 $0x0  }
0x1d: {  	s5 =	simm.s32 @p1 $0x1;
	p0 =	seq.s32 s7, s2  }
0x1e: {  	s7 =	smul.u32 @!p0 $0xF7A, s2;
	p2 =	seq.s32 @!p0 s5, $0x0  }
0x1f: {  	s9 =	smul.u32 $0xF7A, s1;
	s8 =	simm.s32 @!p0 $0x1BF5;
	p2 =	por !p2, p0  }
0x20: {  	[sflag:s8] =	ssyncset.s32 @!p0 $0xFFFFF086;
	s6 =	sadd.s32 @!p0 s3, s7;
	s7 =	simm.s32 @!p0 $0x108  }
0x21: {  	s3 =	sadd.s32 s3, s9;
	s6 =	sadd.s32 @!p0 $0x88, s6;
	s7 =	simm.s32 @p2 $0x1082  }
0x22: {  	[simem:s7], [sflag:s8] =	dma.local @!p0 [hbm:s6], $0xF7A  }
0x23: {  	s9 =	sor.u32 $0xD0000000, s2;
	s6 =	simm.s32 $0x108;
	_ =	swait.ge @!p0 [sflag:s8], $0x0  }
0x24: {  	s3 =	sadd.s32 $0x88, s3;
	s6 =	simm.s32 @!p1 $0x1082;
	[sflag:s4] =	ssyncset.s32 $0xFFFFF086  }
0x25: {  	[simem:s6], [sflag:s4] =	dma.local [hbm:s3], $0xF7A  }
0x26: {  	[smem:$0x3F9D] =	sst s1;
	(tag) =	ssettag s2;
	_ =	strace s9  }
0x27: {  	s1 =	sld [smem:$0x3FAD]  }
0x28: {  	s2 =	sld [smem:$0x3FAE]  }
0x29: {  	s4 =	sld [smem:$0x3FB0]  }
0x2a: {  	p0 =	seq.s32 s5, $0x0;
	s5 =	sld [smem:$0x3FB1]  }
0x2b: {  	s6 =	sld [smem:$0x3FB2]  }
0x2c: {  	s7 =	sld [smem:$0x3FB3]  }
0x2d: {  	s3 =	simm.s32 $0x108;
	s8 =	sld [smem:$0x3FB4]  }
0x2e: {  	s3 =	simm.s32 @!p0 $0x1082;
	s9 =	sld [smem:$0x3FB5]  }
0x2f: {  	lr =	sadd.s32 s0, s3;
	s0 =	sld [smem:$0x3FAC]  }
0x30: {  	s3 =	sld [smem:$0x3FAF]  }
0x31: {  	[smem:$0x3FB8] =	sst s10  }
0x32: {  	s10 =	sld [smem:$0x3FB6];
	_ =	sdelay $0x3  }
0x33: {  	p0 =	seq.s32 s10, $0x1;
	s10 =	sld [smem:$0x3FB8];
	_ =	sdelay $0x3  }
0x34: {  	[smem:$0x3FB8] =	sst s10  }
0x35: {  	s10 =	sld [smem:$0x3FB7];
	_ =	sdelay $0x3  }
0x36: {  	p1 =	seq.s32 s10, $0x1;
	s10 =	sld [smem:$0x3FB8];
	_ =	sdelay $0x3  }
0x37: {  	[smem:$0x3FB8] =	sst s10  }
0x38: {  	s10 =	sld [smem:$0x3FB9]  }
0x39: {  	_ = 	snop;
	(pc) =	sbr.ind lr, $3  }
0x3a: {  	_ = 	snop  }
0x3b: {  	_ = 	snop  }
0x3c: {  	p2 =	seq.s32 s10, $0x1;
	s10 =	sld [smem:$0x3FB8]  }
0x3d: {  	_ =	shalt  }
0x3e: {  	_ =	shalt  }
0x3f: {  	_ =	shalt  }
0x40: {  	_ =	shalt  }
0x41: {  	_ =	shalt  }
0x42: {  	_ =	shalt  }
0x43: {  	_ =	shalt  }
0x44: {  	_ =	shalt  }
0x45: {  	_ =	shalt  }
0x46: {  	_ =	shalt  }
0x47: {  	_ =	shalt  }
0x48: {  	_ =	shalt  }
0x49: {  	_ =	shalt  }
0x4a: {  	_ =	shalt  }
0x4b: {  	_ =	shalt  }
0x4c: {  	_ =	shalt  }
0x4d: {  	_ =	shalt  }
0x4e: {  	_ =	shalt  }
0x4f: {  	_ =	shalt  }
0x50: {  	_ =	shalt  }
0x51: {  	_ =	shalt  }
0x52: {  	_ =	shalt  }
0x53: {  	_ =	shalt  }
0x54: {  	_ =	shalt  }
0x55: {  	_ =	shalt  }
0x56: {  	_ =	shalt  }
0x57: {  	_ =	shalt  }
0x58: {  	_ =	shalt  }
0x59: {  	_ =	shalt  }
0x5a: {  	_ =	shalt  }
0x5b: {  	_ =	shalt  }
0x5c: {  	_ =	shalt  }
0x5d: {  	_ =	shalt  }
0x5e: {  	_ =	shalt  }
0x5f: {  	_ =	shalt  }
0x60: {  	_ =	shalt  }
0x61: {  	_ =	shalt  }
0x62: {  	_ =	shalt  }
0x63: {  	_ =	shalt  }
0x64: {  	_ =	shalt  }
0x65: {  	_ =	shalt  }
0x66: {  	_ =	shalt  }
0x67: {  	_ =	shalt  }
0x68: {  	_ =	shalt  }
0x69: {  	_ =	shalt  }
0x6a: {  	_ =	shalt  }
0x6b: {  	_ =	shalt  }
0x6c: {  	_ =	shalt  }
0x6d: {  	_ =	shalt  }
0x6e: {  	_ =	shalt  }
0x6f: {  	_ =	shalt  }
0x70: {  	_ =	shalt  }
0x71: {  	_ =	shalt  }
0x72: {  	_ =	shalt  }
0x73: {  	_ =	shalt  }
0x74: {  	_ =	shalt  }
0x75: {  	_ =	shalt  }
0x76: {  	_ =	shalt  }
0x77: {  	_ =	shalt  }
0x78: {  	_ =	shalt  }
0x79: {  	_ =	shalt  }
0x7a: {  	_ =	shalt  }
0x7b: {  	_ =	shalt  }
0x7c: {  	_ =	shalt  }
0x7d: {  	_ =	shalt  }
0x7e: {  	_ =	shalt  }
0x7f: {  	_ =	shalt  }
0x80: {  	_ =	shalt  }
0x81: {  	_ =	shalt  }
0x82: {  	_ =	shalt  }
0x83: {  	_ =	shalt  }
0x84: {  	_ =	shalt  }
0x85: {  	_ =	shalt  }
0x86: {  	_ =	shalt  }
0x87: {  	_ =	shalt  }
.Lfunc_end0:
.L_simem_size_0:
called_computation.1_lowered:
.L_overlay_start_0:
0x88: {  	s2 =	sld [smem:$0x3FD9]  }
0x89: {  	s3 =	sld [smem:$0x3FFE];
	_ =	sdelay $0x1  }
0x8a: {  	s1 =	srdreg.scid  }
0x8b: {  	s0 =	sand.u32 $0x1, s1  }
0x8c: {  	s17 =	sshll.u32 s0, $0xA;
	s2 =	sadd.s32 s3, s2  }
0x8d: {  	s2 =	sadd.s32 s2, s17  }
0x8e: {  	[smem:$0x3FC4] =	sst s2  }
0x8f: {  	_ = 	snop  }
0x90: {  	s2 =	sld [smem:$0x3FD0];
	(tm) =	ssettm $0x1  }
0x91: {  	s18 =	sld [smem:$0x3FFB];
	_ =	sdelay $0x3  }
0x92: {  	_ =	strace s18  }
0x93: {  	s3 =	sld [smem:$0x3FFC];
	_ =	sdelay $0x3  }
0x94: {  	_ =	strace s3  }
0x95: {  	s3 =	sld [smem:$0x3FFD];
	_ =	sdelay $0x3  }
0x96: {  	_ =	strace s3  }
0x97: {  	_ =	strace $0x8FFFFFFF  }
0x98: {  	s19 =	sld [smem:$0x3FDB];
	_ =	sdelay $0x1  }
0x99: {  	s4 =	simm.s32 $_scs_section_size  }
0x9a: {  	s5 =	simm.s32 $_size__tile_overlayer_lowered;
	s6 =	simm.s32 $_tile_overlayer_lowered  }
0x9b: {  	s22 =	simm.s32 $0x1BFF;
	s21 =	sshll.u32 s6, $0x1;
	s3 =	sadd.s32 s4, s19  }
0x9c: {  	s7 =	simm.s32 $0x0;
	s20 =	sshll.u32 s5, $0x1;
	s5 =	sadd.s32 s21, s3  }
0x9d: {  	[timem:s7], [sflag:s22] =	dma.local [hbm:s5], s20  }
0x9e: {  	_ =	swait.ge [sflag:s22], s20  }
0x9f: {  	s4 =	ssub.s32 $0x0, s20;
	[sflag:s22] =	ssyncset.done $0x0  }
0xa0: {  	[sflag:s22] =	ssyncadd.s32 s4;
	_ =	sdelay $0x1  }
0xa1: {  	s23 =	simm.s32 $0x1B8B  }
0xa2: {  	_ =	swait.ge [sflag:s23], $0x1  }
0xa3: {  	[sflag:s23] =	ssyncset.done $0x0  }
0xa4: {  	s25 =	simm.s32 $0x1B8E;
	s24 =	sld [smem:$0x3FFE];
	[sflag:s23] =	ssyncadd.s32 $0xFFFFFFFF  }
0xa5: {  	s26 =	simm.s32 $execute0_lowered;
	[smem:$0x3FD2] =	sst s25  }
0xa6: {  	s5 =	sshll.u32 s26, $0x1;
	_ =	strace $0x80000046;
	[dreg:$0x1] =	wrdreg $0xFFFFFFFF  }
0xa7: {  	s28 =	simm.s32 $_size_execute0_lowered;
	s3 =	sadd.s32 s3, s5;
	[dreg:$0x0] =	wrdreg $0x0  }
0xa8: {  	s5 =	sshll.u32 s28, $0x1;
	[dreg:$0x2] =	wrdreg s3  }
0xa9: {  	[dreg:$0x3] =	wrdreg s5  }
0xaa: {  	[dreg:$0x4] =	wrdreg $0xC0  }
0xab: {  	_ =	task [dreg:s7], $0x5FFFF  }
0xac: {  	[dreg:$0x1] =	wrdreg $0xFFFFFFFF  }
0xad: {  	[dreg:$0x0] =	wrdreg $0x60  }
0xae: {  	[dreg:$0x2] =	wrdreg s24  }
0xaf: {  	[dreg:$0x3] =	wrdreg s2  }
0xb0: {  	[dreg:$0x4] =	wrdreg $0x9  }
0xb1: {  	_ =	task.clear_ibuf [dreg:s7], $0x5FFFF;
	_ =	strace $0x90000046  }
0xb2: {  	s29 =	simm.s32 $0x9;
	_ =	strace $0x80000048  }
0xb3: {  	_ =	swait.ge [sflag:s29], $0x1  }
0xb4: {  	[sflag:s29] =	ssyncadd.s32 $0xFFFFFFFF  }
0xb5: {  	_ =	strace $0x90000048  }
0xb6: {  	_ =	sfence  }
0xb7: {  	s30 =	sld [smem:$0x0];
	_ =	sdelay $0x2  }
0xb8: {  	s31 =	sshll.u32 s1, $0xD;
	s1 =	sshrl.u32 s1, $0x2  }
0xb9: {  	s3 =	sand.u32 $0x4000, s31;
	s1 =	sadd.s32 s1, s30  }
0xba: {  	s0 =	sor.u32 s3, s0;
	s1 =	sshll.u32 s1, $0x11  }
0xbb: {  	s0 =	sor.u32 s1, s0  }
0xbc: {  	s0 =	sadd.s32 $0x8F2B, s0  }
0xbd: {  	[sflag:s0] =	ssyncadd.remote.s32 $0x1  }
0xbe: {  	_ =	sfence.sel $0xFFFF  }
0xbf: {  	[dreg:$0x0] =	wrdreg $0xFFFFFFFF;
	(pc) =	sbr.abs _section_cstart, $3  }
0xc0: {  	[dreg:$0x1] =	wrdreg $0xFFFFFFFF  }
0xc1: {  	_ =	task.clear_ibuf [dreg:s7], $0x2FFFF;
	_ =	strace $0x9FFFFFFF  }
0xc2: {  	(tm) =	ssettm $0x7FFFFFFF  }
0xc3: {  	_ =	shalt  }
tec
execute0_lowered:
.L_overlay_start_1:
0x0: {  	(tag) =	ssettag $0x1  }
0x1: {  	s4 =	rddreg [dreg:$0x0];
	s1 =	srdreg.scid  }
0x2: {  	s0 =	stileid.u32;
	s10 =	rddreg [dreg:$0x1]  }
0x3: {  	s2 =	simm.s32 $0x0;
	s15 =	simm.s32 $0x7400;
	s16 =	simm.s32 $0x100  }
0x4: {  	s17 =	simm.s32 $0xB400;
	s18 =	simm.s32 $0x180;
	s19 =	simm.s32 $0xF400  }
0x5: {  	s20 =	simm.s32 $0x1;
	s21 =	simm.s32 $0x2;
	s12 =	smul.u32 $0x340000, s0  }
0x6: {  	s22 =	simm.s32 $0x3;
	s9 =	sand.u32 $0x1, s1;
	s14 =	smul.u32 $0x68000, s0  }
0x7: {  	s23 =	simm.s32 $0x4;
	s3 =	sshll.u32 s0, $0x1;
	s13 =	smul.u32 $0x1A0000, s9  }
0x8: {  	s1 =	rddreg [dreg:$0x2];
	s3 =	sor.u32 s9, s3;
	s29 =	smul.u32 $0x34000, s9  }
0x9: {  	s24 =	simm.s32 $0x0;
	[smem:$0x7FF] =	sst s2;
	s5 =	smul.u32 $0x3400, s3  }
0xa: {  	_ =	strace $0x80000047;
	s7 =	ssub.s32 $0x2, s9;
	s6 =	smul.u32 $0x1A0000, s3  }
0xb: {  	s3 =	sadd.s32 $0xDC00, s4;
	s28 =	sshrl.u32 s7, $0x1;
	s31 =	sadd.s32 s14, s10  }
0xc: {  	s14 =	simm.s32 $0x3400;
	s11 =	ssub.s32 s7, s28;
	s12 =	sadd.s32 s13, s12  }
0xd: {  	s13 =	simm.s32 $0x80;
	s5 =	sshrl.u32 s5, $0x3;
	s6 =	sshrl.u32 s6, $0x3  }
0xe: {  	s9 =	smax.u32 s11, $0x1;
	s30 =	sshrl.u32 s12, $0x3;
	s11 =	sadd.s32 s29, s31  }
0xf: {  	s12 =	simm.s32 $0x5;
	s4 =	sadd.s32 s5, s4;
	s8 =	sadd.s32 s10, s6  }
0x10: {  	s10 =	sadd.s32 s30, s10;
	s4 =	sadd.s32 $0xC00, s4;
	s5 =	sadd.s32 $0x32000, s8  }
0x11: {  	s6 =	sadd.s32 $0x32800, s8;
	s7 =	sadd.s32 $0x33000, s8;
	s8 =	sadd.s32 $0x33800, s8  }
.LBB2_1:
0x12: {  	[tilespmem:s2], [sflag:$0x5] =	stream.linear.gather [hbm4b:s4+s2], $0x3400, $0x38;
	[tilespmem:$0x13400] =	vst v63  }
0x13: {  	_ =	swait.ge [sflag:s12], $0x3400  }
0x14: {  	[sflag:s12] =	ssyncset.done $0x0  }
0x15: {  	[sflag:s12] =	ssyncadd.s32 $0xFFFFCC00  }
0x16: {  	[tilespmem:s14], [sflag:$0x1] =	stream.indirect.gather [hbm4b:s3+s13], $0x80, s2, s13, $0xb8;
	[tilespmem:$0x13400] =	vst v63  }
0x17: {  	_ = 	snop  }
0x18: {  	[tilespmem:s15], [sflag:$0x2] =	stream.indirect.gather [hbm4b:s3+s13], $0x80, s13, s13, $0xb8;
	[tilespmem:$0x13400] =	vst v63  }
0x19: {  	_ = 	snop  }
0x1a: {  	[tilespmem:s17], [sflag:$0x3] =	stream.indirect.gather [hbm4b:s3+s13], $0x80, s16, s13, $0xb8;
	[tilespmem:$0x13400] =	vst v63  }
0x1b: {  	_ = 	snop  }
0x1c: {  	[tilespmem:s19], [sflag:$0x4] =	stream.indirect.gather [hbm4b:s3+s13], $0x80, s18, s13, $0xb8;
	[tilespmem:$0x13400] =	vst v63  }
0x1d: {  	_ =	swait.ge [sflag:s20], $0x4000  }
0x1e: {  	[sflag:s20] =	ssyncset.done $0x0  }
0x1f: {  	s25 =	sadd.s32 $0x0, s10;
	[sflag:s20] =	ssyncadd.s32 $0xFFFFC000  }
0x20: {  	[hbm4b:s25+s2] =	stream.linear.scatter [tilespmem:s14], [sflag:$0x5], $0x4000, $0x38;
	[tilespmem:$0x13400] =	vst v63  }
0x21: {  	_ =	swait.ge [sflag:s12], $0x4000  }
0x22: {  	[sflag:s12] =	ssyncset.done $0x0  }
0x23: {  	s26 =	simm.s32 $0x200;
	[sflag:s12] =	ssyncadd.s32 $0xFFFFC000  }
0x24: {  	[tilespmem:s14], [sflag:$0x1] =	stream.indirect.gather [hbm4b:s3+s13], $0x80, s26, s13, $0xb8;
	[tilespmem:$0x13400] =	vst v63  }
0x25: {  	_ =	swait.ge [sflag:s21], $0x4000  }
0x26: {  	s25 =	sadd.s32 $0x0, s11;
	[sflag:s21] =	ssyncset.done $0x0  }
0x27: {  	s26 =	sadd.s32 $0x800, s25;
	[sflag:s21] =	ssyncadd.s32 $0xFFFFC000  }
0x28: {  	[hbm4b:s26+s2] =	stream.linear.scatter [tilespmem:s15], [sflag:$0x5], $0x4000, $0x38;
	[tilespmem:$0x13400] =	vst v63  }
0x29: {  	_ =	swait.ge [sflag:s12], $0x4000  }
0x2a: {  	[sflag:s12] =	ssyncset.done $0x0  }
0x2b: {  	s29 =	simm.s32 $0x280;
	[sflag:s12] =	ssyncadd.s32 $0xFFFFC000  }
0x2c: {  	[tilespmem:s15], [sflag:$0x2] =	stream.indirect.gather [hbm4b:s3+s13], $0x80, s29, s13, $0xb8;
	[tilespmem:$0x13400] =	vst v63  }
0x2d: {  	_ =	swait.ge [sflag:s22], $0x4000  }
0x2e: {  	[sflag:s22] =	ssyncset.done $0x0  }
0x2f: {  	s30 =	sadd.s32 $0x1000, s25;
	[sflag:s22] =	ssyncadd.s32 $0xFFFFC000  }
0x30: {  	[hbm4b:s30+s2] =	stream.linear.scatter [tilespmem:s17], [sflag:$0x5], $0x4000, $0x38;
	[tilespmem:$0x13400] =	vst v63  }
0x31: {  	_ =	swait.ge [sflag:s12], $0x4000  }
0x32: {  	[sflag:s12] =	ssyncset.done $0x0  }
0x33: {  	s31 =	simm.s32 $0x300;
	[sflag:s12] =	ssyncadd.s32 $0xFFFFC000  }
0x34: {  	[tilespmem:s17], [sflag:$0x3] =	stream.indirect.gather [hbm4b:s3+s13], $0x80, s31, s13, $0xb8;
	[tilespmem:$0x13400] =	vst v63  }
0x35: {  	_ =	swait.ge [sflag:s23], $0x4000  }
0x36: {  	[sflag:s23] =	ssyncset.done $0x0  }
0x37: {  	s25 =	sadd.s32 $0x1800, s25;
	[sflag:s23] =	ssyncadd.s32 $0xFFFFC000  }
0x38: {  	[hbm4b:s25+s2] =	stream.linear.scatter [tilespmem:s19], [sflag:$0x5], $0x4000, $0x38;
	[tilespmem:$0x13400] =	vst v63  }
0x39: {  	_ =	swait.ge [sflag:s12], $0x4000  }
0x3a: {  	s28 =	simm.s32 $0x580;
	[sflag:s12] =	ssyncset.done $0x0  }
0x3b: {  	s26 =	simm.s32 $0x2000;
	s25 =	simm.s32 $0x380;
	[sflag:s12] =	ssyncadd.s32 $0xFFFFC000  }
.LBB2_2:
0x3c: {  	[tilespmem:s19], [sflag:$0x4] =	stream.indirect.gather [hbm4b:s3+s13], $0x80, s25, s13, $0xb8;
	[tilespmem:$0x13400] =	vst v63  }
0x3d: {  	s29 =	smov.u32 s26;
	s25 =	smov.u32 s28  }
0x3e: {  	p0 =	sne.s32 s26, $0x30000;
	s26 =	sadd.s32 $0x2000, s26;
	_ =	swait.ge [sflag:s20], $0x4000  }
0x3f: {  	[sflag:s20] =	ssyncset.done $0x0  }
0x40: {  	s30 =	sadd.s32 s29, s10;
	[sflag:s20] =	ssyncadd.s32 $0xFFFFC000  }
0x41: {  	[hbm4b:s30+s2] =	stream.linear.scatter [tilespmem:s14], [sflag:$0x5], $0x4000, $0x38;
	[tilespmem:$0x13400] =	vst v63  }
0x42: {  	_ =	swait.ge [sflag:s12], $0x4000  }
0x43: {  	[sflag:s12] =	ssyncset.done $0x0  }
0x44: {  	s30 =	sadd.s32 $0xFFFFFE80, s28;
	[sflag:s12] =	ssyncadd.s32 $0xFFFFC000  }
0x45: {  	[tilespmem:s14], [sflag:$0x1] =	stream.indirect.gather [hbm4b:s3+s13], $0x80, s30, s13, $0xb8;
	[tilespmem:$0x13400] =	vst v63  }
0x46: {  	_ =	swait.ge [sflag:s21], $0x4000  }
0x47: {  	s29 =	sadd.s32 s29, s11;
	[sflag:s21] =	ssyncset.done $0x0  }
0x48: {  	s30 =	sadd.s32 $0x800, s29;
	[sflag:s21] =	ssyncadd.s32 $0xFFFFC000  }
0x49: {  	[hbm4b:s30+s2] =	stream.linear.scatter [tilespmem:s15], [sflag:$0x5], $0x4000, $0x38;
	[tilespmem:$0x13400] =	vst v63  }
0x4a: {  	_ =	swait.ge [sflag:s12], $0x4000  }
0x4b: {  	[sflag:s12] =	ssyncset.done $0x0  }
0x4c: {  	s30 =	sadd.s32 $0xFFFFFF00, s28;
	[sflag:s12] =	ssyncadd.s32 $0xFFFFC000  }
0x4d: {  	[tilespmem:s15], [sflag:$0x2] =	stream.indirect.gather [hbm4b:s3+s13], $0x80, s30, s13, $0xb8;
	[tilespmem:$0x13400] =	vst v63  }
0x4e: {  	_ =	swait.ge [sflag:s22], $0x4000  }
0x4f: {  	[sflag:s22] =	ssyncset.done $0x0  }
0x50: {  	s30 =	sadd.s32 $0x1000, s29;
	[sflag:s22] =	ssyncadd.s32 $0xFFFFC000  }
0x51: {  	[hbm4b:s30+s2] =	stream.linear.scatter [tilespmem:s17], [sflag:$0x5], $0x4000, $0x38;
	[tilespmem:$0x13400] =	vst v63  }
0x52: {  	_ =	swait.ge [sflag:s12], $0x4000  }
0x53: {  	[sflag:s12] =	ssyncset.done $0x0  }
0x54: {  	s30 =	sadd.s32 $0xFFFFFF80, s28;
	[sflag:s12] =	ssyncadd.s32 $0xFFFFC000  }
0x55: {  	[tilespmem:s17], [sflag:$0x3] =	stream.indirect.gather [hbm4b:s3+s13], $0x80, s30, s13, $0xb8;
	[tilespmem:$0x13400] =	vst v63  }
0x56: {  	_ =	swait.ge [sflag:s23], $0x4000  }
0x57: {  	[sflag:s23] =	ssyncset.done $0x0  }
.Ltmp0:
0x58: {  	s29 =	sadd.s32 $0x1800, s29;
	[sflag:s23] =	ssyncadd.s32 $0xFFFFC000;
	(pc) =	sbr.rel @p0 .LBB2_2-.Ltmp0, $4  }
0x59: {  	[hbm4b:s29+s2] =	stream.linear.scatter [tilespmem:s19], [sflag:$0x5], $0x4000, $0x38;
	[tilespmem:$0x13400] =	vst v63  }
0x5a: {  	_ =	swait.ge [sflag:s12], $0x4000  }
0x5b: {  	[sflag:s12] =	ssyncset.done $0x0  }
0x5c: {  	s28 =	sadd.s32 $0x200, s28;
	[sflag:s12] =	ssyncadd.s32 $0xFFFFC000  }
0x5d: {  	[tilespmem:s19], [sflag:$0x4] =	stream.indirect.gather [hbm4b:s3+s13], $0x80, s25, s13, $0xb8;
	[tilespmem:$0x13400] =	vst v63  }
0x5e: {  	_ =	swait.ge [sflag:s20], $0x4000  }
0x5f: {  	[sflag:s20] =	ssyncset.done $0x0  }
0x60: {  	[sflag:s20] =	ssyncadd.s32 $0xFFFFC000  }
0x61: {  	[hbm4b:s5+s2] =	stream.linear.scatter [tilespmem:s14], [sflag:$0x5], $0x4000, $0x38;
	[tilespmem:$0x13400] =	vst v63  }
0x62: {  	_ =	swait.ge [sflag:s12], $0x4000  }
0x63: {  	[sflag:s12] =	ssyncset.done $0x0  }
0x64: {  	[sflag:s12] =	ssyncadd.s32 $0xFFFFC000  }
0x65: {  	_ =	swait.ge [sflag:s21], $0x4000  }
0x66: {  	[sflag:s21] =	ssyncset.done $0x0  }
0x67: {  	[sflag:s21] =	ssyncadd.s32 $0xFFFFC000  }
0x68: {  	[hbm4b:s6+s2] =	stream.linear.scatter [tilespmem:s15], [sflag:$0x5], $0x4000, $0x38;
	[tilespmem:$0x13400] =	vst v63  }
0x69: {  	_ =	swait.ge [sflag:s12], $0x4000  }
0x6a: {  	[sflag:s12] =	ssyncset.done $0x0  }
0x6b: {  	[sflag:s12] =	ssyncadd.s32 $0xFFFFC000  }
0x6c: {  	_ =	swait.ge [sflag:s22], $0x4000  }
0x6d: {  	[sflag:s22] =	ssyncset.done $0x0  }
0x6e: {  	[sflag:s22] =	ssyncadd.s32 $0xFFFFC000  }
0x6f: {  	[hbm4b:s7+s2] =	stream.linear.scatter [tilespmem:s17], [sflag:$0x5], $0x4000, $0x38;
	[tilespmem:$0x13400] =	vst v63  }
0x70: {  	_ =	swait.ge [sflag:s12], $0x4000  }
0x71: {  	[sflag:s12] =	ssyncset.done $0x0  }
0x72: {  	[sflag:s12] =	ssyncadd.s32 $0xFFFFC000  }
0x73: {  	s24 =	sadd.s32 $0x1, s24;
	_ =	swait.ge [sflag:s23], $0x4000  }
0x74: {  	p0 =	sne.s32 s24, s9;
	[sflag:s23] =	ssyncset.done $0x0  }
.Ltmp1:
0x75: {  	[sflag:s23] =	ssyncadd.s32 $0xFFFFC000;
	(pc) =	sbr.rel @p0 .LBB2_1-.Ltmp1, $4  }
0x76: {  	[hbm4b:s8+s2] =	stream.linear.scatter [tilespmem:s19], [sflag:$0x5], $0x4000, $0x38;
	[tilespmem:$0x13400] =	vst v63  }
0x77: {  	_ =	swait.ge [sflag:s12], $0x4000  }
0x78: {  	[sflag:s12] =	ssyncset.done $0x0  }
0x79: {  	[sflag:s12] =	ssyncadd.s32 $0xFFFFC000  }
0x7a: {  	_ =	sfence.sel $0x180000  }
0x7b: {  	[bflag:$0x0] =	sbarrier.arrive $0xFFFF  }
0x7c: {  	p0 =	sne.s32 s0, $0x0;
	_ =	strace $0x90000047  }
0x7d: {  	s0 =	sadd.s32 @!p0 $0x100000, s1;
	[bflag:$0x2] =	sbarrier.arrive $0xFFFF  }
0x7e: {  	[sflag:s0] =	ssyncadd.tile.s32 @!p0 $0x1;
	_ =	shalt  }
.Lfunc_end2:
_tile_overlayer_lowered:
.L_overlay_start_2:
0x7f: {  	(tag) =	ssettag $0x2  }
0x80: {  	s0 =	rddreg [dreg:$0x0];
	s2 =	stileid.u32  }
0x81: {  	s1 =	rddreg [dreg:$0x1];
	p0 =	sne.s32 s2, $0x0  }
0x82: {  	s3 =	rddreg [dreg:$0x2];
	[bflag:$0x3] =	sbarrier.arrive $0xFFFF;
	s2 =	simm.s32 @!p0 $0x1C05  }
0x83: {  	[timem:s3], [sflag:s2] =	dma.local @!p0 [hbm:s0], s1  }
0x84: {  	s0 =	simm.s32 @!p0 $0x5  }
0x85: {  	_ =	swait.ge @!p0 [sflag:s0], s1  }
0x86: {  	s1 =	ssub.s32 @!p0 $0x0, s1;
	[sflag:s0] =	ssyncset.done @!p0 $0x0  }
0x87: {  	[sflag:s0] =	ssyncadd.s32 @!p0 s1  }
0x88: {  	[bflag:$0x3] =	sbarrier.arrive $0xFFFF  }
0x89: {  	_ =	shalt  }

// kernel: sparse-core-data-format-call.cloned.1.call-start
scs
called_computation_lowered:
.L_overlay_start_0:
0x0: {  	s2 =	sld [smem:$0x3FD9]  }
0x1: {  	s3 =	sld [smem:$0x3FFE];
	_ =	sdelay $0x1  }
0x2: {  	s1 =	srdreg.scid  }
0x3: {  	s0 =	sand.u32 $0x1, s1  }
0x4: {  	s18 =	sshll.u32 s0, $0xA;
	s2 =	sadd.s32 s3, s2  }
0x5: {  	s2 =	sadd.s32 s2, s18  }
0x6: {  	[smem:$0x3FC4] =	sst s2  }
0x7: {  	_ = 	snop  }
0x8: {  	s2 =	sld [smem:$0x3FD0];
	(tm) =	ssettm $0x1  }
0x9: {  	s19 =	sld [smem:$0x3FFB];
	_ =	sdelay $0x3  }
0xa: {  	_ =	strace s19  }
0xb: {  	s3 =	sld [smem:$0x3FFC];
	_ =	sdelay $0x3  }
0xc: {  	_ =	strace s3  }
0xd: {  	s3 =	sld [smem:$0x3FFD];
	_ =	sdelay $0x3  }
0xe: {  	_ =	strace s3  }
0xf: {  	_ =	strace $0x8FFFFFFF  }
0x10: {  	s20 =	sld [smem:$0x3FDB];
	_ =	sdelay $0x1  }
0x11: {  	s4 =	simm.s32 $_scs_section_size  }
0x12: {  	s5 =	simm.s32 $_size__tile_overlayer_lowered;
	s6 =	simm.s32 $_tile_overlayer_lowered  }
0x13: {  	s23 =	simm.s32 $0x1BFF;
	s22 =	sshll.u32 s6, $0x1;
	s3 =	sadd.s32 s4, s20  }
0x14: {  	s7 =	simm.s32 $0x0;
	s21 =	sshll.u32 s5, $0x1;
	s5 =	sadd.s32 s22, s3  }
0x15: {  	[timem:s7], [sflag:s23] =	dma.local [hbm:s5], s21  }
0x16: {  	_ =	swait.ge [sflag:s23], s21  }
0x17: {  	s4 =	ssub.s32 $0x0, s21;
	[sflag:s23] =	ssyncset.done $0x0  }
0x18: {  	[sflag:s23] =	ssyncadd.s32 s4;
	_ =	sdelay $0x1  }
0x19: {  	s24 =	simm.s32 $0x1B8B  }
0x1a: {  	_ =	swait.ge [sflag:s24], $0x1  }
0x1b: {  	[sflag:s24] =	ssyncset.done $0x0  }
0x1c: {  	s26 =	simm.s32 $0x1B8E;
	s25 =	sld [smem:$0x3FFE];
	[sflag:s24] =	ssyncadd.s32 $0xFFFFFFFF  }
0x1d: {  	s27 =	simm.s32 $execute0_lowered;
	[smem:$0x3FD2] =	sst s26  }
0x1e: {  	s5 =	sshll.u32 s27, $0x1;
	_ =	strace $0x80000049;
	[dreg:$0x1] =	wrdreg $0xFFFFFFFF  }
0x1f: {  	s28 =	simm.s32 $_size_execute0_lowered;
	s3 =	sadd.s32 s3, s5;
	[dreg:$0x0] =	wrdreg $0x0  }
0x20: {  	s5 =	sshll.u32 s28, $0x1;
	[dreg:$0x2] =	wrdreg s3  }
0x21: {  	[dreg:$0x3] =	wrdreg s5  }
0x22: {  	[dreg:$0x4] =	wrdreg $0xC0  }
0x23: {  	_ =	task [dreg:s7], $0x5FFFF  }
0x24: {  	[dreg:$0x1] =	wrdreg $0xFFFFFFFF  }
0x25: {  	[dreg:$0x0] =	wrdreg $0x60  }
0x26: {  	[dreg:$0x2] =	wrdreg s25  }
0x27: {  	[dreg:$0x3] =	wrdreg s2  }
0x28: {  	[dreg:$0x4] =	wrdreg $0x9  }
0x29: {  	_ =	task.clear_ibuf [dreg:s7], $0x5FFFF;
	_ =	strace $0x90000049  }
0x2a: {  	s29 =	simm.s32 $0x9;
	_ =	strace $0x8000004B  }
0x2b: {  	_ =	swait.ge [sflag:s29], $0x1  }
0x2c: {  	[sflag:s29] =	ssyncadd.s32 $0xFFFFFFFF  }
0x2d: {  	_ =	strace $0x9000004B  }
0x2e: {  	_ =	sfence  }
0x2f: {  	s30 =	sld [smem:$0x0];
	_ =	sdelay $0x2  }
0x30: {  	s31 =	sshll.u32 s1, $0xD;
	s1 =	sshrl.u32 s1, $0x2  }
0x31: {  	s3 =	sand.u32 $0x4000, s31;
	s1 =	sadd.s32 s1, s30  }
0x32: {  	s0 =	sor.u32 s3, s0;
	s1 =	sshll.u32 s1, $0x11  }
0x33: {  	s0 =	sor.u32 s1, s0  }
0x34: {  	s0 =	sadd.s32 $0x8F2B, s0  }
0x35: {  	[sflag:s0] =	ssyncadd.remote.s32 $0x1  }
0x36: {  	_ =	sfence.sel $0xFFFF  }
0x37: {  	[dreg:$0x0] =	wrdreg $0xFFFFFFFF;
	(pc) =	sbr.abs _section_cstart, $3  }
0x38: {  	[dreg:$0x1] =	wrdreg $0xFFFFFFFF  }
0x39: {  	_ =	task.clear_ibuf [dreg:s7], $0x2FFFF;
	_ =	strace $0x9FFFFFFF  }
0x3a: {  	(tm) =	ssettm $0x7FFFFFFF  }
0x3b: {  	_ =	shalt  }
tec
execute0_lowered:
.L_overlay_start_1:
0x0: {  	(tag) =	ssettag $0x1  }
0x1: {  	s0 =	srdreg.scid  }
0x2: {  	s1 =	sshll.u32 s0, $0x4  }
0x3: {  	s0 =	stileid.u32;
	s1 =	sand.u32 $0x10, s1  }
0x4: {  	s1 =	sor.u32 s0, s1  }
0x5: {  	s6 =	rddreg [dreg:$0x0];
	s4 =	simm.s32 $0x1;
	s2 =	sshll.u32 s1, $0x6  }
0x6: {  	s7 =	simm.s32 $0x2;
	s13 =	simm.s32 $0x0;
	s1 =	ssub.s32 $0x4000, s2  }
0x7: {  	s8 =	simm.s32 $0x2000;
	s9 =	simm.s32 $0x200000;
	s3 =	sand.u32 $0x7C0, s1  }
0x8: {  	s14 =	simm.s32 $0x0;
	s5 =	sshrl.u32 s1, $0xB;
	p0 =	sne.s32 s3, $0x0  }
.Ltmp0:
0x9: {  	s1 =	rddreg [dreg:$0x2];
	s4 =	simm.s32 @!p0 $0x0;
	(pc) =	sbr.rel .LBB1_1-.Ltmp0, $4  }
0xa: {  	s10 =	simm.s32 $0x0;
	s3 =	rddreg [dreg:$0x1];
	s5 =	sadd.s32 s4, s5  }
0xb: {  	_ =	strace $0x8000004A;
	s4 =	simm.s32 $0x1;
	s5 =	smul.u32 $0xD, s5  }
0xc: {  	s12 =	simm.s32 $0x0;
	s6 =	sadd.s32 $0xC00, s6;
	[sflag:s4] =	ssyncpa.u1 $0x0  }
0xd: {  	s11 =	smov.u32 s2;
	[sflag:s7] =	ssyncpa.u1 $0x0;
	s7 =	sadd.s32 $0x1, s5  }
.LBB1_7:
0xe: {  	s15 =	sadd.s32 $0x2, s10  }
0xf: {  	s13 =	sadd.s32 $0x800, s11;
	s17 =	smov.u32 s11;
	p1 =	sgt.s32 s15, $0x19  }
0x10: {  	s17 =	smov.u32 @p1 s13  }
0x11: {  	s15 =	simm.s32 @p1 $0x0;
	p1 =	sgt.s32 s17, $0x3FFF  }
0x12: {  	s17 =	smov.u32 @p1 s2;
	p1 =	sne.s32 s12, s7  }
.Ltmp1:
0x13: {  	p0 =	slt.u32 s12, $0x2;
	(pc) =	sbr.rel @!p1 .LBB1_8-.Ltmp1, $4  }
0x14: {  	s16 =	simm.s32 @!p0 $0x2  }
0x15: {  	s14 =	smov.u32 s11;
	_ =	swait.ge @!p0 [sflag:s16], $0x4000  }
0x16: {  	s13 =	smov.u32 s10;
	[sflag:s16] =	ssyncset.done @!p0 $0x0;
	s10 =	smov.u32 s15  }
0x17: {  	s12 =	sadd.s32 $0x1, s12;
	[sflag:s16] =	ssyncadd.s32 @!p0 $0xFFFFC000;
	s11 =	smov.u32 s17  }
.LBB1_1:
0x18: {  	p0 =	sge.u32 s12, s5  }
0x19: {  	s31 =	sadd.s32 $0xFFFFFFFF, s12;
	s15 =	sxor.u32 @!p0 $0xFFFFFFFF, s12  }
0x1a: {  	s16 =	sshll.u32 @!p0 s11, $0x9;
	s17 =	sshll.u32 @!p0 s10, $0x4;
	s18 =	simm.s32 @!p0 $0x1000  }
0x1b: {  	s15 =	sshll.u32 @!p0 s15, $0xE;
	s17 =	sand.u32 @!p0 $0x1F0, s17;
	s16 =	sadd.s32 @!p0 s6, s16  }
0x1c: {  	s15 =	sand.u32 @!p0 $0x4000, s15;
	s16 =	sadd.s32 @!p0 s17, s16;
	s17 =	simm.s32 @!p0 $0x100  }
0x1d: {  	[tilespmem:s15], [sflag:$0x1] =	stream.strided.gather @!p0 [hbm4b:s16+s17], $0x4000, s18, s17, $0x38;
	[tilespmem:$0x10000] =	vst v63  }
0x1e: {  	p0 =	sge.u32 s31, s5  }
.Ltmp2:
0x1f: {  	_ = 	snop;
	(pc) =	sbr.rel @p0 .LBB1_7-.Ltmp2, $1  }
0x20: {  	_ =	sdelay $0x3  }
0x21: {  	_ =	swait.ge [sflag:s4], $0x4000;
	s15 =	sshll.u32 s12, $0xE  }
0x22: {  	[sflag:s4] =	ssyncset.done $0x0;
	s16 =	sand.u32 $0x4000, s15  }
0x23: {  	s17 =	simm.s32 $0x0;
	[sflag:s4] =	ssyncadd.s32 $0xFFFFC000;
	s15 =	sor.u32 $0x8000, s16  }
.LBB1_3:
0x24: {  	s18 =	sshll.u32 s17, $0x8  }
0x25: {  	s18 =	sand.u32 $0x3FFFFF00, s18  }
0x26: {  	s19 =	sshll.u32 s17, $0x7;
	s18 =	sadd.s32 s18, s16  }
0x27: {  	s19 =	sand.u32 $0x3FFFFF80, s19;
	v0 =	vmov s18  }
0x28: {  	s19 =	sadd.s32 s19, s15  }
0x29: {  	p0 =	por $0x1, $0x1;
	v1 =	vmov s19;
	s18 =	simm.s32 $0x0  }
.LBB1_4:
0x2a: {  	s19 =	sshll.u32 s18, $0x7  }
0x2b: {  	s19 =	sand.u32 $0x3FFFFF80, s19  }
0x2c: {  	v2 =	vld.idx.msk [tilespmem:v0+s19+$0x0 ss:$0x1], $0xffff  }
0x2d: {  	v3 =	vld.idx.msk [tilespmem:v0+s19+$0x10 ss:$0x1], $0xffff  }
0x2e: {  	v4 =	vld.idx.msk [tilespmem:v0+s19+$0x20 ss:$0x1], $0xffff  }
0x2f: {  	s31 =	sshll.u32 s18, $0xD;
	v5 =	vld.idx.msk [tilespmem:v0+s19+$0x30 ss:$0x1], $0xffff  }
0x30: {  	s18 =	sand.u32 $0x3FFFE000, s31;
	v6 =	vld.idx.msk [tilespmem:v0+s19+$0x40 ss:$0x1], $0xffff  }
0x31: {  	v63 =	vld.idx.msk [tilespmem:v0+s19+$0x70 ss:$0x1], $0xffff;
	[tilespmem:v1+s18+$0x0 ss:$0x1] =	vst.idx.msk $0xffff, v2  }
0x32: {  	v2 =	vld.idx.msk [tilespmem:v0+s19+$0x50 ss:$0x1], $0xffff;
	[tilespmem:v1+s18+$0x10 ss:$0x1] =	vst.idx.msk $0xffff, v3  }
0x33: {  	p1 =	por p0, p0;
	v3 =	vld.idx.msk [tilespmem:v0+s19+$0x60 ss:$0x1], $0xffff;
	[tilespmem:v1+s18+$0x20 ss:$0x1] =	vst.idx.msk $0xffff, v4  }
.Ltmp3:
0x34: {  	[tilespmem:v1+s18+$0x30 ss:$0x1] =	vst.idx.msk $0xffff, v5;
	(pc) =	sbr.rel @p1 .LBB1_4-.Ltmp3, $4  }
0x35: {  	[tilespmem:v1+s18+$0x40 ss:$0x1] =	vst.idx.msk $0xffff, v6  }
0x36: {  	[tilespmem:v1+s18+$0x70 ss:$0x1] =	vst.idx.msk $0xffff, v63  }
0x37: {  	[tilespmem:v1+s18+$0x50 ss:$0x1] =	vst.idx.msk $0xffff, v2  }
0x38: {  	p0 =	por $0x0, $0x0;
	[tilespmem:v1+s18+$0x60 ss:$0x1] =	vst.idx.msk $0xffff, v3;
	s18 =	simm.s32 $0x1  }
0x39: {  	s17 =	sadd.s32 $0x1, s17  }
0x3a: {  	p0 =	sne.s32 s17, $0x40  }
.Ltmp4:
0x3b: {  	_ = 	snop;
	(pc) =	sbr.rel @p0 .LBB1_3-.Ltmp4, $1  }
0x3c: {  	_ =	sdelay $0x3  }
.Ltmp5:
0x3d: {  	s14 =	sshll.u32 s14, $0x4;
	(pc) =	sbr.rel .LBB1_7-.Ltmp5, $4  }
0x3e: {  	s14 =	sand.u32 $0x3FFF0, s14  }
0x3f: {  	s13 =	sshll.u32 s13, $0x12;
	s14 =	sadd.s32 s3, s14  }
0x40: {  	s13 =	sadd.s32 s13, s14  }
0x41: {  	[hbm4b:s13+s8] =	stream.strided.scatter [tilespmem:s15], [sflag:$0x2], $0x4000, s9, s8, $0x38;
	[tilespmem:$0x10000] =	vst v63  }
.LBB1_8:
0x42: {  	_ =	sfence.sel $0x180000  }
0x43: {  	s2 =	simm.s32 $0x1;
	[bflag:$0x0] =	sbarrier.arrive $0xFFFF  }
0x44: {  	s31 =	simm.s32 $0x2;
	[sflag:s2] =	ssyncpa.u1 $0x1  }
0x45: {  	[sflag:s31] =	ssyncpa.u1 $0x1  }
0x46: {  	p0 =	sne.s32 s0, $0x0;
	_ =	strace $0x9000004A  }
0x47: {  	s0 =	sadd.s32 @!p0 $0x100000, s1;
	[bflag:$0x2] =	sbarrier.arrive $0xFFFF  }
0x48: {  	[sflag:s0] =	ssyncadd.tile.s32 @!p0 $0x1;
	_ =	shalt  }
.Lfunc_end1:
_tile_overlayer_lowered:
.L_overlay_start_2:
0x49: {  	(tag) =	ssettag $0x2  }
0x4a: {  	s0 =	rddreg [dreg:$0x0];
	s2 =	stileid.u32  }
0x4b: {  	s1 =	rddreg [dreg:$0x1];
	p0 =	sne.s32 s2, $0x0  }
0x4c: {  	s3 =	rddreg [dreg:$0x2];
	[bflag:$0x3] =	sbarrier.arrive $0xFFFF;
	s2 =	simm.s32 @!p0 $0x1C01  }
0x4d: {  	[timem:s3], [sflag:s2] =	dma.local @!p0 [hbm:s0], s1  }
0x4e: {  	s0 =	simm.s32 @!p0 $0x1  }
0x4f: {  	_ =	swait.ge @!p0 [sflag:s0], s1  }
0x50: {  	s1 =	ssub.s32 @!p0 $0x0, s1;
	[sflag:s0] =	ssyncset.done @!p0 $0x0  }
0x51: {  	[sflag:s0] =	ssyncadd.s32 @!p0 s1  }
0x52: {  	[bflag:$0x3] =	sbarrier.arrive $0xFFFF  }
0x53: {  	_ =	shalt  }

</sc_bundles>
